<compile_context>
chip_gen: v7x
topology: tpu7x:2x2x1
jax: 0.10.2.dev20260603
libtpu: 0.0.44.dev20260713+nightly
codegen_flags: <defaults>
</compile_context>

<pallas_src>
import functools

import jax
import jax.numpy as jnp
from jax import lax
from jax.experimental import pallas as pl
from jax.experimental.pallas import tpu as pltpu
from jax.experimental.pallas import tpu_sc as plsc

_L = 16
_NBIN = 8192
_GRID_A = -32.0
_GRID_W = 64.0
_CHUNK = 8


def _sc_quantize(x2d, lohi_t, midu_t, prm):
    nrows, d = x2d.shape
    nworkers = 32
    rows_per_w = nrows // nworkers
    nchunks = rows_per_w // _CHUNK
    nvec = d // _L

    mesh = plsc.VectorSubcoreMesh(core_axis_name="c", subcore_axis_name="s")

    @functools.partial(
        pl.kernel,
        mesh=mesh,
        out_type=jax.ShapeDtypeStruct((nrows, d), jnp.float32),
        compiler_params=pltpu.CompilerParams(needs_layout_passes=False),
        scratch_types=[
            pltpu.VMEM((_CHUNK, d), jnp.float32),
            pltpu.VMEM((_CHUNK, d), jnp.float32),
            pltpu.VMEM((_CHUNK, d), jnp.float32),
            pltpu.VMEM((_CHUNK, d), jnp.float32),
            pltpu.VMEM((2 * _NBIN,), jnp.float32),
            pltpu.VMEM((_NBIN,), jnp.float32),
            pltpu.VMEM((_L,), jnp.float32),
            pltpu.VMEM((_CHUNK, _L), jnp.float32),
            pltpu.VMEM((_CHUNK, _L), jnp.float32),
            pltpu.SemaphoreType.DMA,
            pltpu.SemaphoreType.DMA,
            pltpu.SemaphoreType.DMA,
            pltpu.SemaphoreType.DMA,
        ],
    )
    def k(x_hbm, lohi_hbm, midu_hbm, prm_hbm, out_hbm,
          xb0, xb1, ob0, ob1, lohi_v, midu_v, prm_v, su_v, st_v,
          si0, si1, so0, so1):
        wid = lax.axis_index("s") * 2 + lax.axis_index("c")
        pltpu.sync_copy(lohi_hbm, lohi_v)
        pltpu.sync_copy(midu_hbm, midu_v)
        pltpu.sync_copy(prm_hbm, prm_v)

        pvec = prm_v[...]
        invh_v = jnp.full((_L,), pvec[0], jnp.float32)
        cu_v = jnp.full((_L,), pvec[1], jnp.float32)

        def compute_chunk(xbuf, obuf):
            @plsc.parallel_loop(0, _CHUNK, 1)
            def std_body(r):
                zero = jnp.zeros((_L,), jnp.float32)

                def sq_body(i, accs):
                    a0, a1, a2, a3 = accs
                    v0 = xbuf[r, pl.ds(i * _L, _L)]
                    v1 = xbuf[r, pl.ds((i + 1) * _L, _L)]
                    v2 = xbuf[r, pl.ds((i + 2) * _L, _L)]
                    v3 = xbuf[r, pl.ds((i + 3) * _L, _L)]
                    return (a0 + v0 * v0, a1 + v1 * v1,
                            a2 + v2 * v2, a3 + v3 * v3)

                a0, a1, a2, a3 = plsc.parallel_loop(
                    0, nvec, 4, unroll=2,
                    carry=(zero, zero, zero, zero))(sq_body)
                acc = (a0 + a1) + (a2 + a3)
                mean = jnp.sum(acc) * (1.0 / d)
                mv = jnp.full((_L,), mean, jnp.float32)
                bits = plsc.bitcast(mv, jnp.int32)
                y = plsc.bitcast((bits >> 1) + 0x1FBD1DF6, jnp.float32)
                y = 0.5 * (y + mv / y)
                y = 0.5 * (y + mv / y)
                y = 0.5 * (y + mv / y)
                stdv = y + 1e-8
                st_v[r, :] = stdv
                su_v[r, :] = (1.0 / stdv) * invh_v

            @plsc.parallel_loop(0, _CHUNK, 1)
            def q_row(r):
                su = su_v[r, :]
                stdv = st_v[r, :]

                @plsc.parallel_loop(0, nvec, 1, unroll=8)
                def q_body(i):
                    v = xbuf[r, pl.ds(i * _L, _L)]
                    u = v * su + cu_v
                    jc = u.astype(jnp.int32)
                    gm = plsc.load_gather(midu_v, [jc])
                    side = jnp.where(u > gm, jnp.int32(1), jnp.int32(0))
                    q = plsc.load_gather(lohi_v, [jc + jc + side])
                    obuf[r, pl.ds(i * _L, _L)] = q * stdv

        def in_slice(c):
            return x_hbm.at[pl.ds(wid * rows_per_w + c * _CHUNK, _CHUNK)]

        def out_slice(c):
            return out_hbm.at[pl.ds(wid * rows_per_w + c * _CHUNK, _CHUNK)]

        pltpu.make_async_copy(in_slice(0), xb0, si0).start()

        def pair_body(p, _):
            c0 = 2 * p
            pltpu.make_async_copy(in_slice(c0 + 1), xb1, si1).start()
            pltpu.make_async_copy(in_slice(c0), xb0, si0).wait()

            @pl.when(p > 0)
            def _wait_ob0():
                pltpu.make_async_copy(ob0, out_slice(c0), so0).wait()

            compute_chunk(xb0, ob0)
            pltpu.make_async_copy(ob0, out_slice(c0), so0).start()

            @pl.when(c0 + 2 < nchunks)
            def _pf_xb0():
                pltpu.make_async_copy(in_slice(c0 + 2), xb0, si0).start()

            pltpu.make_async_copy(in_slice(c0 + 1), xb1, si1).wait()

            @pl.when(p > 0)
            def _wait_ob1():
                pltpu.make_async_copy(ob1, out_slice(c0 + 1), so1).wait()

            compute_chunk(xb1, ob1)
            pltpu.make_async_copy(ob1, out_slice(c0 + 1), so1).start()
            return _

        lax.fori_loop(0, nchunks // 2, pair_body, 0)
        if nchunks % 2:
            c = nchunks - 1
            pltpu.make_async_copy(in_slice(c), xb0, si0).wait()
            pltpu.make_async_copy(ob0, out_slice(c - 2), so0).wait()
            compute_chunk(xb0, ob0)
            pltpu.make_async_copy(ob0, out_slice(c), so0).start()
        pltpu.make_async_copy(ob0, out_slice(nchunks - 1 - (nchunks % 2)),
                              so0).wait()
        pltpu.make_async_copy(ob1, out_slice(nchunks - 1), so1).wait()

    return k(x2d, lohi_t, midu_t, prm)


def _tc_quantize(x2d, mg, row0):
    m, d = x2d.shape
    rb = 192
    assert m % rb == 0 and row0 % rb == 0
    off = row0 // rb

    def body(mg_ref, x_ref, o_ref):
        x = x_ref[...]
        s2 = jnp.mean(x * x, axis=1, keepdims=True)
        std = jnp.sqrt(s2) + 1e-8
        ta = jnp.abs(x) * (1.0 / std)
        q = jnp.zeros_like(ta)
        for i in range(9, 16):
            q = q + jnp.where(ta > mg_ref[0, i], mg_ref[1, i], 0.0)
        q = q + 0.5 * mg_ref[1, 8]
        o_ref[...] = jnp.where(x < 0.0, -q, q) * std

    return pl.pallas_call(
        body,
        grid=(m // rb - off,),
        in_specs=[pl.BlockSpec((3, 16), lambda i: (0, 0)),
                  pl.BlockSpec((rb, d), lambda i: (i + off, 0))],
        out_specs=pl.BlockSpec((rb, d), lambda i: (i + off, 0)),
        out_shape=jax.ShapeDtypeStruct((m, d), jnp.float32),
    )(mg, x2d)


def _build_tables(levels):
    lv = levels.astype(jnp.float32)
    mids = 0.5 * (lv[1:] + lv[:-1])
    a = jnp.float32(_GRID_A)
    width = jnp.float32(_GRID_W)
    h = width / _NBIN
    invh = _NBIN / width
    edges = a + jnp.arange(_NBIN + 1, dtype=jnp.float32) * h
    loidx = jnp.sum(mids[None, :] < edges[:-1, None], axis=1)
    hiidx = jnp.sum(mids[None, :] < edges[1:, None], axis=1)
    lvl_iota = jnp.arange(16, dtype=jnp.int32)[None, :]
    lo_t = jnp.sum(lv[None, :] * (lvl_iota == loidx[:, None]), axis=1)
    hi_t = jnp.sum(lv[None, :] * (lvl_iota == hiidx[:, None]), axis=1)
    mid_iota = jnp.arange(15, dtype=jnp.int32)[None, :]
    mid_at_lo = jnp.sum(mids[None, :] *
                        (mid_iota == jnp.clip(loidx, 0, 14)[:, None]), axis=1)
    midu_t = jnp.where(hiidx > loidx,
                       (mid_at_lo - a) * invh,
                       jnp.inf).astype(jnp.float32)
    lohi_t = jnp.stack([lo_t, hi_t], axis=1).reshape(2 * _NBIN)
    prm = jnp.zeros((_L,), jnp.float32)
    prm = prm.at[0].set(invh).at[1].set(-a * invh)
    return lohi_t, midu_t, prm


_SC_BATCHES = 4


def kernel(x, levels):
    lv = levels.astype(jnp.float32)
    mg = jnp.stack([
        jnp.concatenate([jnp.array([-jnp.inf], jnp.float32),
                         0.5 * (lv[1:] + lv[:-1])]),
        jnp.concatenate([lv[:1], lv[1:] - lv[:-1]]),
        lv,
    ])
    lohi_t, midu_t, prm = _build_tables(levels)
    b, s, d = x.shape
    sc_rows = _SC_BATCHES * s
    sc_out = _sc_quantize(x[:_SC_BATCHES].reshape(sc_rows, d),
                          lohi_t, midu_t, prm)
    tc_out = _tc_quantize(x.reshape(b * s, d), mg, sc_rows)
    out = lax.dynamic_update_slice(tc_out, sc_out, (0, 0))
    return out.reshape(b, s, d)

# --- scband reference (transcript-rebuilt; emitter-appended) ---
"""Pipeline reference for scband-gaussian-stequantizer-22471268893156 (READ-ONLY COPY).

The authoritative reference and input builder live on the scoring server;
editing this copy changes nothing except your own understanding.
"""

import jax, jax.numpy as jnp
import numpy as np
import math


def _phi(x):
    if not np.isfinite(x):
        return 0.0
    return math.exp(-0.5 * x * x) / math.sqrt(2.0 * math.pi)


def _Phi(x):
    if x == float('inf'):
        return 1.0
    if x == float('-inf'):
        return 0.0
    return 0.5 * (1.0 + math.erf(x / math.sqrt(2.0)))


def compute_gaussian_levels(bits=4):
    # Lloyd-Max iteration for a standard Gaussian, using analytic integrals:
    #   int_a^b x*phi(x) dx = phi(a) - phi(b)
    #   int_a^b   phi(x) dx = Phi(b) - Phi(a)
    n_levels = 2 ** bits
    levels = np.linspace(-3.0, 3.0, n_levels)
    boundaries = np.zeros(n_levels + 1)
    for _ in range(20):
        boundaries[1:-1] = (levels[1:] + levels[:-1]) / 2.0
        boundaries[0] = -float('inf')
        boundaries[-1] = float('inf')
        new_levels = []
        for i in range(n_levels):
            b_left, b_right = boundaries[i], boundaries[i + 1]
            integral_num = _phi(b_left) - _phi(b_right)
            integral_den = _Phi(b_right) - _Phi(b_left)
            if integral_den > 1e-10:
                new_levels.append(integral_num / integral_den)
            else:
                new_levels.append(levels[i])
        levels = np.array(new_levels)
    return jnp.asarray(levels, dtype=jnp.float32)


def setup_inputs(seed: int = 0) -> dict:
    key = jax.random.key(seed)
    x = jax.random.normal(key, (16, 576, 768), dtype=jnp.float32)
    levels = compute_gaussian_levels(bits=4)
    return {"x": x, "levels": levels}


def reference(x, levels):
    std = jnp.sqrt(jnp.mean(x ** 2, axis=-1, keepdims=True)) + 1e-08
    x_norm = x / std
    expanded_input = x_norm[..., None]
    distances = jnp.abs(expanded_input - levels)
    indices = jnp.argmin(distances, axis=-1)
    xq_norm = jnp.take(levels, indices)
    xq = xq_norm * std
    return x + jax.lax.stop_gradient(xq - x)

if __name__ == "__main__":
    import jax
    _d = setup_inputs()
    print(jax.jit(kernel)(*tuple(_d.values())))

</pallas_src>

<mosaic_0001>
#map = affine_map<(d0, d1) -> (0, 0)>
#map1 = affine_map<(d0, d1) -> (0)>
module attributes {stable_mosaic.version = 14 : i64} {
  func.func @k(%arg0: i32, %arg1: i32, %arg2: memref<2304x768xf32, #tpu.memory_space<hbm>>, %arg3: memref<16384xf32, #tpu.memory_space<hbm>>, %arg4: memref<8192xf32, #tpu.memory_space<hbm>>, %arg5: memref<16xf32, #tpu.memory_space<hbm>>, %arg6: memref<2304x768xf32, #tpu.memory_space<hbm>>, %arg7: memref<8x768xf32, #tpu.memory_space<vmem>>, %arg8: memref<8x768xf32, #tpu.memory_space<vmem>>, %arg9: memref<8x768xf32, #tpu.memory_space<vmem>>, %arg10: memref<8x768xf32, #tpu.memory_space<vmem>>, %arg11: memref<16384xf32, #tpu.memory_space<vmem>>, %arg12: memref<8192xf32, #tpu.memory_space<vmem>>, %arg13: memref<16xf32, #tpu.memory_space<vmem>>, %arg14: memref<8x16xf32, #tpu.memory_space<vmem>>, %arg15: memref<8x16xf32, #tpu.memory_space<vmem>>, %arg16: memref<!tpu.dma_semaphore, #tpu.memory_space<semaphore_mem>>, %arg17: memref<!tpu.dma_semaphore, #tpu.memory_space<semaphore_mem>>, %arg18: memref<!tpu.dma_semaphore, #tpu.memory_space<semaphore_mem>>, %arg19: memref<!tpu.dma_semaphore, #tpu.memory_space<semaphore_mem>>) attributes {dimension_semantics = [#tpu.dimension_semantics<core_parallel>, #tpu.dimension_semantics<subcore_parallel>], iteration_bounds = array<i64: 2, 16>, scalar_prefetch = 0 : i64, scratch_operands = 13 : i64, tpu.core_type = #tpu.core_type<sc_vector_subcore>, window_params = [{transform_indices = #map}, {transform_indices = #map1}, {transform_indices = #map1}, {transform_indices = #map1}, {transform_indices = #map}]} {
    %mul3A = arith.constant 2 : i32
    %mul3A_0 = arith.muli %arg1, %mul3A : i32
    %add3A = arith.addi %mul3A_0, %arg0 : i32
    "tpu.region"() ({
      %run_scoped3A = tpu.sem_alloc : memref<!tpu.dma_semaphore, #tpu.memory_space<semaphore_mem>>
      tpu.enqueue_dma source(%arg3 : memref<16384xf32, #tpu.memory_space<hbm>>) target(%arg11 : memref<16384xf32, #tpu.memory_space<vmem>>) target_semaphore(%run_scoped3A : memref<!tpu.dma_semaphore, #tpu.memory_space<semaphore_mem>>)
      tpu.wait_dma2 semaphore(%run_scoped3A : memref<!tpu.dma_semaphore, #tpu.memory_space<semaphore_mem>>) src(%arg3 : memref<16384xf32, #tpu.memory_space<hbm>>) dst(%arg11 : memref<16384xf32, #tpu.memory_space<vmem>>)
      tpu.yield
    }) : () -> ()
    "tpu.region"() ({
      %run_scoped3A = tpu.sem_alloc : memref<!tpu.dma_semaphore, #tpu.memory_space<semaphore_mem>>
      tpu.enqueue_dma source(%arg4 : memref<8192xf32, #tpu.memory_space<hbm>>) target(%arg12 : memref<8192xf32, #tpu.memory_space<vmem>>) target_semaphore(%run_scoped3A : memref<!tpu.dma_semaphore, #tpu.memory_space<semaphore_mem>>)
      tpu.wait_dma2 semaphore(%run_scoped3A : memref<!tpu.dma_semaphore, #tpu.memory_space<semaphore_mem>>) src(%arg4 : memref<8192xf32, #tpu.memory_space<hbm>>) dst(%arg12 : memref<8192xf32, #tpu.memory_space<vmem>>)
      tpu.yield
    }) : () -> ()
    "tpu.region"() ({
      %run_scoped3A = tpu.sem_alloc : memref<!tpu.dma_semaphore, #tpu.memory_space<semaphore_mem>>
      tpu.enqueue_dma source(%arg5 : memref<16xf32, #tpu.memory_space<hbm>>) target(%arg13 : memref<16xf32, #tpu.memory_space<vmem>>) target_semaphore(%run_scoped3A : memref<!tpu.dma_semaphore, #tpu.memory_space<semaphore_mem>>)
      tpu.wait_dma2 semaphore(%run_scoped3A : memref<!tpu.dma_semaphore, #tpu.memory_space<semaphore_mem>>) src(%arg5 : memref<16xf32, #tpu.memory_space<hbm>>) dst(%arg13 : memref<16xf32, #tpu.memory_space<vmem>>)
      tpu.yield
    }) : () -> ()
    %get3A = arith.constant 0 : index
    %get3A_1 = tpu.vector_load %arg13[%get3A] {strides = array<i32>} : memref<16xf32, #tpu.memory_space<vmem>>, vector<16xf32>,
    %slice3A = vector.extract_strided_slice %get3A_1 {offsets = [0], sizes = [1], strides = [1]} : vector<16xf32> to vector<1xf32>
    %squeeze3A = vector.extract %slice3A[0] : f32 from vector<1xf32>
    %broadcast_in_dim3A = vector.broadcast %squeeze3A : f32 to vector<16xf32>
    %slice3A_2 = vector.extract_strided_slice %get3A_1 {offsets = [1], sizes = [1], strides = [1]} : vector<16xf32> to vector<1xf32>
    %squeeze3A_3 = vector.extract %slice3A_2[0] : f32 from vector<1xf32>
    %broadcast_in_dim3A_4 = vector.broadcast %squeeze3A_3 : f32 to vector<16xf32>
    %mul3A_5 = arith.constant 72 : i32
    %mul3A_6 = arith.muli %add3A, %mul3A_5 : i32
    %add3A_7 = arith.constant 0 : i32
    %add3A_8 = arith.addi %mul3A_6, %add3A_7 : i32
    %dma_start3A = arith.constant 0 : i32
    %dma_start3A_9 = tpu.memref_slice %arg2[%add3A_8, %dma_start3A] : memref<2304x768xf32, #tpu.memory_space<hbm>> -> memref<8x768xf32, #tpu.memory_space<hbm>>
    %dma_start3A_10 = arith.constant 0 : i32
    %dma_start3A_11 = tpu.memref_slice %arg2[%add3A_8, %dma_start3A_10] : memref<2304x768xf32, #tpu.memory_space<hbm>> -> memref<8x768xf32, #tpu.memory_space<hbm>>
    tpu.enqueue_dma source(%dma_start3A_11 : memref<8x768xf32, #tpu.memory_space<hbm>>) target(%arg7 : memref<8x768xf32, #tpu.memory_space<vmem>>) target_semaphore(%arg16 : memref<!tpu.dma_semaphore, #tpu.memory_space<semaphore_mem>>)
    %scan3A = arith.constant 0 : i32
    %scan3A_12 = arith.constant 0 : i32
    %scan3A_13 = arith.constant 4 : i32
    %scan3A_14 = arith.addi %scan3A_12, %scan3A_13 : i32
    %scan3A_15 = arith.constant 1 : i32
    scf.for %scan3A_61 = %scan3A_12 to %scan3A_14 step %scan3A_15  : i32 {
      %mul3A_62 = arith.constant 2 : i32
      %mul3A_63 = arith.muli %mul3A_62, %scan3A_61 : i32
      %add3A_64 = arith.constant 1 : i32
      %add3A_65 = arith.addi %mul3A_63, %add3A_64 : i32
      %mul3A_66 = arith.constant 72 : i32
      %mul3A_67 = arith.muli %add3A, %mul3A_66 : i32
      %mul3A_68 = arith.constant 8 : i32
      %mul3A_69 = arith.muli %add3A_65, %mul3A_68 : i32
      %add3A_70 = arith.addi %mul3A_67, %mul3A_69 : i32
      %dma_start3A_71 = arith.constant 0 : i32
      %dma_start3A_72 = tpu.memref_slice %arg2[%add3A_70, %dma_start3A_71] : memref<2304x768xf32, #tpu.memory_space<hbm>> -> memref<8x768xf32, #tpu.memory_space<hbm>>
      %dma_start3A_73 = arith.constant 0 : i32
      %dma_start3A_74 = tpu.memref_slice %arg2[%add3A_70, %dma_start3A_73] : memref<2304x768xf32, #tpu.memory_space<hbm>> -> memref<8x768xf32, #tpu.memory_space<hbm>>
      tpu.enqueue_dma source(%dma_start3A_74 : memref<8x768xf32, #tpu.memory_space<hbm>>) target(%arg8 : memref<8x768xf32, #tpu.memory_space<vmem>>) target_semaphore(%arg17 : memref<!tpu.dma_semaphore, #tpu.memory_space<semaphore_mem>>)
      %mul3A_75 = arith.constant 72 : i32
      %mul3A_76 = arith.muli %add3A, %mul3A_75 : i32
      %mul3A_77 = arith.constant 8 : i32
      %mul3A_78 = arith.muli %mul3A_63, %mul3A_77 : i32
      %add3A_79 = arith.addi %mul3A_76, %mul3A_78 : i32
      %dma_wait3A_80 = arith.constant 0 : i32
      %dma_wait3A_81 = tpu.memref_slice %arg2[%add3A_79, %dma_wait3A_80] : memref<2304x768xf32, #tpu.memory_space<hbm>> -> memref<8x768xf32, #tpu.memory_space<hbm>>
      %dma_wait3A_82 = arith.constant 0 : i32
      %dma_wait3A_83 = tpu.memref_slice %arg2[%add3A_79, %dma_wait3A_82] : memref<2304x768xf32, #tpu.memory_space<hbm>> -> memref<8x768xf32, #tpu.memory_space<hbm>>
      tpu.wait_dma2 semaphore(%arg16 : memref<!tpu.dma_semaphore, #tpu.memory_space<semaphore_mem>>) src(%dma_wait3A_83 : memref<8x768xf32, #tpu.memory_space<hbm>>) dst(%arg7 : memref<8x768xf32, #tpu.memory_space<vmem>>)
      %gt3A = arith.constant 0 : i32
      %gt3A_84 = arith.cmpi sgt, %scan3A_61, %gt3A : i32
      %convert_element_type3A = arith.extui %gt3A_84 : i1 to i32
      %cond3A = arith.constant 0 : i32
      %cond3A_85 = arith.cmpi ne, %convert_element_type3A, %cond3A : i32
      scf.if %cond3A_85 {
        %mul3A_140 = arith.constant 72 : i32
        %mul3A_141 = arith.muli %add3A, %mul3A_140 : i32
        %mul3A_142 = arith.constant 8 : i32
        %mul3A_143 = arith.muli %mul3A_63, %mul3A_142 : i32
        %add3A_144 = arith.addi %mul3A_141, %mul3A_143 : i32
        %dma_wait3A_145 = arith.constant 0 : i32
        %dma_wait3A_146 = tpu.memref_slice %arg6[%add3A_144, %dma_wait3A_145] : memref<2304x768xf32, #tpu.memory_space<hbm>> -> memref<8x768xf32, #tpu.memory_space<hbm>>
        %dma_wait3A_147 = arith.constant 0 : i32
        %dma_wait3A_148 = tpu.memref_slice %arg6[%add3A_144, %dma_wait3A_147] : memref<2304x768xf32, #tpu.memory_space<hbm>> -> memref<8x768xf32, #tpu.memory_space<hbm>>
        tpu.wait_dma2 semaphore(%arg18 : memref<!tpu.dma_semaphore, #tpu.memory_space<semaphore_mem>>) src(%arg9 : memref<8x768xf32, #tpu.memory_space<vmem>>) dst(%dma_wait3A_148 : memref<8x768xf32, #tpu.memory_space<hbm>>)
      } else {
      }
      %parallel_loop3A_86 = arith.constant 0 : i32
      %parallel_loop3A_87 = arith.constant 8 : i32
      %parallel_loop3A_88 = arith.constant 1 : i32
      scf.for %parallel_loop3A_140 = %parallel_loop3A_86 to %parallel_loop3A_87 step %parallel_loop3A_88  : i32 {
        %parallel_loop3A_141 = arith.constant 0.000000e+00 : f32
        %parallel_loop3A_142 = vector.broadcast %parallel_loop3A_141 : f32 to vector<16xf32>
        %parallel_loop3A_143 = arith.constant 0 : i32
        %parallel_loop3A_144 = arith.constant 48 : i32
        %parallel_loop3A_145 = arith.constant 4 : i32
        %parallel_loop3A_146:4 = scf.for %parallel_loop3A_193 = %parallel_loop3A_143 to %parallel_loop3A_144 step %parallel_loop3A_145 iter_args(%parallel_loop3A_194 = %parallel_loop3A_142, %parallel_loop3A_195 = %parallel_loop3A_142, %parallel_loop3A_196 = %parallel_loop3A_142, %parallel_loop3A_197 = %parallel_loop3A_142) -> (vector<16xf32>, vector<16xf32>, vector<16xf32>, vector<16xf32>)  : i32 {
          %parallel_loop3A_198 = arith.constant 16 : i32
          %parallel_loop3A_199 = arith.muli %parallel_loop3A_193, %parallel_loop3A_198 : i32
          %parallel_loop3A_200 = arith.index_cast %parallel_loop3A_140 : i32 to index
          %parallel_loop3A_201 = arith.index_cast %parallel_loop3A_199 : i32 to index
          %parallel_loop3A_202 = tpu.vector_load %arg7[%parallel_loop3A_200, %parallel_loop3A_201] {strides = array<i32>} : memref<8x768xf32, #tpu.memory_space<vmem>>, vector<16xf32>,
          %parallel_loop3A_203 = arith.constant 1 : i32
          %parallel_loop3A_204 = arith.addi %parallel_loop3A_193, %parallel_loop3A_203 : i32
          %parallel_loop3A_205 = arith.constant 16 : i32
          %parallel_loop3A_206 = arith.muli %parallel_loop3A_204, %parallel_loop3A_205 : i32
          %parallel_loop3A_207 = arith.index_cast %parallel_loop3A_140 : i32 to index
          %parallel_loop3A_208 = arith.index_cast %parallel_loop3A_206 : i32 to index
          %parallel_loop3A_209 = tpu.vector_load %arg7[%parallel_loop3A_207, %parallel_loop3A_208] {strides = array<i32>} : memref<8x768xf32, #tpu.memory_space<vmem>>, vector<16xf32>,
          %parallel_loop3A_210 = arith.constant 2 : i32
          %parallel_loop3A_211 = arith.addi %parallel_loop3A_193, %parallel_loop3A_210 : i32
          %parallel_loop3A_212 = arith.constant 16 : i32
          %parallel_loop3A_213 = arith.muli %parallel_loop3A_211, %parallel_loop3A_212 : i32
          %parallel_loop3A_214 = arith.index_cast %parallel_loop3A_140 : i32 to index
          %parallel_loop3A_215 = arith.index_cast %parallel_loop3A_213 : i32 to index
          %parallel_loop3A_216 = tpu.vector_load %arg7[%parallel_loop3A_214, %parallel_loop3A_215] {strides = array<i32>} : memref<8x768xf32, #tpu.memory_space<vmem>>, vector<16xf32>,
          %parallel_loop3A_217 = arith.constant 3 : i32
          %parallel_loop3A_218 = arith.addi %parallel_loop3A_193, %parallel_loop3A_217 : i32
          %parallel_loop3A_219 = arith.constant 16 : i32
          %parallel_loop3A_220 = arith.muli %parallel_loop3A_218, %parallel_loop3A_219 : i32
          %parallel_loop3A_221 = arith.index_cast %parallel_loop3A_140 : i32 to index
          %parallel_loop3A_222 = arith.index_cast %parallel_loop3A_220 : i32 to index
          %parallel_loop3A_223 = tpu.vector_load %arg7[%parallel_loop3A_221, %parallel_loop3A_222] {strides = array<i32>} : memref<8x768xf32, #tpu.memory_space<vmem>>, vector<16xf32>,
          %parallel_loop3A_224 = arith.mulf %parallel_loop3A_202, %parallel_loop3A_202 : vector<16xf32>
          %parallel_loop3A_225 = arith.addf %parallel_loop3A_194, %parallel_loop3A_224 : vector<16xf32>
          %parallel_loop3A_226 = arith.mulf %parallel_loop3A_209, %parallel_loop3A_209 : vector<16xf32>
          %parallel_loop3A_227 = arith.addf %parallel_loop3A_195, %parallel_loop3A_226 : vector<16xf32>
          %parallel_loop3A_228 = arith.mulf %parallel_loop3A_216, %parallel_loop3A_216 : vector<16xf32>
          %parallel_loop3A_229 = arith.addf %parallel_loop3A_196, %parallel_loop3A_228 : vector<16xf32>
          %parallel_loop3A_230 = arith.mulf %parallel_loop3A_223, %parallel_loop3A_223 : vector<16xf32>
          %parallel_loop3A_231 = arith.addf %parallel_loop3A_197, %parallel_loop3A_230 : vector<16xf32>
          scf.yield %parallel_loop3A_225, %parallel_loop3A_227, %parallel_loop3A_229, %parallel_loop3A_231 : vector<16xf32>, vector<16xf32>, vector<16xf32>, vector<16xf32>
        } {sc.loop_unroll_factor = 2 : i64, sc.parallel_access}
        %parallel_loop3A_147 = arith.addf %parallel_loop3A_146#0, %parallel_loop3A_146#1 : vector<16xf32>
        %parallel_loop3A_148 = arith.addf %parallel_loop3A_146#2, %parallel_loop3A_146#3 : vector<16xf32>
        %parallel_loop3A_149 = arith.addf %parallel_loop3A_147, %parallel_loop3A_148 : vector<16xf32>
        %parallel_loop3A_150 = arith.constant true
        %parallel_loop3A_151 = vector.broadcast %parallel_loop3A_150 : i1 to vector<16xi1>
        %parallel_loop3A_152 = tpu.scan <sum>, %parallel_loop3A_149 masked %parallel_loop3A_151 : vector<16xf32>, vector<16xi1> -> vector<16xf32>
        %parallel_loop3A_153 = vector.extract %parallel_loop3A_152[15] : f32 from vector<16xf32>
        %parallel_loop3A_154 = arith.constant 0.00130208337 : f32
        %parallel_loop3A_155 = arith.mulf %parallel_loop3A_153, %parallel_loop3A_154 : f32
        %parallel_loop3A_156 = vector.broadcast %parallel_loop3A_155 : f32 to vector<16xf32>
        %parallel_loop3A_157 = vector.bitcast %parallel_loop3A_156 : vector<16xf32> to vector<16xi32>
        %parallel_loop3A_158 = arith.constant 1 : i32
        %parallel_loop3A_159 = vector.broadcast %parallel_loop3A_158 : i32 to vector<16xi32>
        %parallel_loop3A_160 = arith.shrsi %parallel_loop3A_157, %parallel_loop3A_159 : vector<16xi32>
        %parallel_loop3A_161 = arith.constant 532487670 : i32
        %parallel_loop3A_162 = vector.broadcast %parallel_loop3A_161 : i32 to vector<16xi32>
        %parallel_loop3A_163 = arith.addi %parallel_loop3A_160, %parallel_loop3A_162 : vector<16xi32>
        %parallel_loop3A_164 = vector.bitcast %parallel_loop3A_163 : vector<16xi32> to vector<16xf32>
        %parallel_loop3A_165 = arith.divf %parallel_loop3A_156, %parallel_loop3A_164 : vector<16xf32>
        %parallel_loop3A_166 = arith.addf %parallel_loop3A_164, %parallel_loop3A_165 : vector<16xf32>
        %parallel_loop3A_167 = arith.constant 5.000000e-01 : f32
        %parallel_loop3A_168 = vector.broadcast %parallel_loop3A_167 : f32 to vector<16xf32>
        %parallel_loop3A_169 = arith.mulf %parallel_loop3A_168, %parallel_loop3A_166 : vector<16xf32>
        %parallel_loop3A_170 = arith.divf %parallel_loop3A_156, %parallel_loop3A_169 : vector<16xf32>
        %parallel_loop3A_171 = arith.addf %parallel_loop3A_169, %parallel_loop3A_170 : vector<16xf32>
        %parallel_loop3A_172 = arith.constant 5.000000e-01 : f32
        %parallel_loop3A_173 = vector.broadcast %parallel_loop3A_172 : f32 to vector<16xf32>
        %parallel_loop3A_174 = arith.mulf %parallel_loop3A_173, %parallel_loop3A_171 : vector<16xf32>
        %parallel_loop3A_175 = arith.divf %parallel_loop3A_156, %parallel_loop3A_174 : vector<16xf32>
        %parallel_loop3A_176 = arith.addf %parallel_loop3A_174, %parallel_loop3A_175 : vector<16xf32>
        %parallel_loop3A_177 = arith.constant 5.000000e-01 : f32
        %parallel_loop3A_178 = vector.broadcast %parallel_loop3A_177 : f32 to vector<16xf32>
        %parallel_loop3A_179 = arith.mulf %parallel_loop3A_178, %parallel_loop3A_176 : vector<16xf32>
        %parallel_loop3A_180 = arith.constant 9.99999993E-9 : f32
        %parallel_loop3A_181 = vector.broadcast %parallel_loop3A_180 : f32 to vector<16xf32>
        %parallel_loop3A_182 = arith.addf %parallel_loop3A_179, %parallel_loop3A_181 : vector<16xf32>
        %parallel_loop3A_183 = arith.index_cast %parallel_loop3A_140 : i32 to index
        %parallel_loop3A_184 = arith.constant 0 : index
        %parallel_loop3A_185 = tpu.vector_load %arg15[%parallel_loop3A_183, %parallel_loop3A_184] {strides = array<i32>} : memref<8x16xf32, #tpu.memory_space<vmem>>, vector<16xf32>,
        tpu.vector_store %arg15[%parallel_loop3A_183, %parallel_loop3A_184], %parallel_loop3A_182 {strides = array<i32>} : memref<8x16xf32, #tpu.memory_space<vmem>>, vector<16xf32>,
        %parallel_loop3A_186 = arith.constant 1.000000e+00 : f32
        %parallel_loop3A_187 = vector.broadcast %parallel_loop3A_186 : f32 to vector<16xf32>
        %parallel_loop3A_188 = arith.divf %parallel_loop3A_187, %parallel_loop3A_182 : vector<16xf32>
        %parallel_loop3A_189 = arith.mulf %parallel_loop3A_188, %broadcast_in_dim3A : vector<16xf32>
        %parallel_loop3A_190 = arith.index_cast %parallel_loop3A_140 : i32 to index
        %parallel_loop3A_191 = arith.constant 0 : index
        %parallel_loop3A_192 = tpu.vector_load %arg14[%parallel_loop3A_190, %parallel_loop3A_191] {strides = array<i32>} : memref<8x16xf32, #tpu.memory_space<vmem>>, vector<16xf32>,
        tpu.vector_store %arg14[%parallel_loop3A_190, %parallel_loop3A_191], %parallel_loop3A_189 {strides = array<i32>} : memref<8x16xf32, #tpu.memory_space<vmem>>, vector<16xf32>,
      } {sc.loop_unroll_factor = 1 : i64, sc.parallel_access}
      %parallel_loop3A_89 = arith.constant 0 : i32
      %parallel_loop3A_90 = arith.constant 8 : i32
      %parallel_loop3A_91 = arith.constant 1 : i32
      scf.for %parallel_loop3A_140 = %parallel_loop3A_89 to %parallel_loop3A_90 step %parallel_loop3A_91  : i32 {
        %parallel_loop3A_141 = arith.index_cast %parallel_loop3A_140 : i32 to index
        %parallel_loop3A_142 = arith.constant 0 : index
        %parallel_loop3A_143 = tpu.vector_load %arg14[%parallel_loop3A_141, %parallel_loop3A_142] {strides = array<i32>} : memref<8x16xf32, #tpu.memory_space<vmem>>, vector<16xf32>,
        %parallel_loop3A_144 = arith.index_cast %parallel_loop3A_140 : i32 to index
        %parallel_loop3A_145 = arith.constant 0 : index
        %parallel_loop3A_146 = tpu.vector_load %arg15[%parallel_loop3A_144, %parallel_loop3A_145] {strides = array<i32>} : memref<8x16xf32, #tpu.memory_space<vmem>>, vector<16xf32>,
        %parallel_loop3A_147 = arith.constant 0 : i32
        %parallel_loop3A_148 = arith.constant 48 : i32
        %parallel_loop3A_149 = arith.constant 1 : i32
        scf.for %parallel_loop3A_150 = %parallel_loop3A_147 to %parallel_loop3A_148 step %parallel_loop3A_149  : i32 {
          %parallel_loop3A_151 = arith.constant 16 : i32
          %parallel_loop3A_152 = arith.muli %parallel_loop3A_150, %parallel_loop3A_151 : i32
          %parallel_loop3A_153 = arith.index_cast %parallel_loop3A_140 : i32 to index
          %parallel_loop3A_154 = arith.index_cast %parallel_loop3A_152 : i32 to index
          %parallel_loop3A_155 = tpu.vector_load %arg7[%parallel_loop3A_153, %parallel_loop3A_154] {strides = array<i32>} : memref<8x768xf32, #tpu.memory_space<vmem>>, vector<16xf32>,
          %parallel_loop3A_156 = arith.mulf %parallel_loop3A_155, %parallel_loop3A_143 : vector<16xf32>
          %parallel_loop3A_157 = arith.addf %parallel_loop3A_156, %broadcast_in_dim3A_4 : vector<16xf32>
          %parallel_loop3A_158 = arith.fptosi %parallel_loop3A_157 : vector<16xf32> to vector<16xi32>
          %parallel_loop3A_159 = tpu.vector_load_idx %arg12[%parallel_loop3A_158] : memref<8192xf32, #tpu.memory_space<vmem>>[vector<16xi32>], vector<16xf32>,
          %parallel_loop3A_160 = arith.cmpf ogt, %parallel_loop3A_157, %parallel_loop3A_159 : vector<16xf32>
          %parallel_loop3A_161 = arith.constant 1 : i32
          %parallel_loop3A_162 = arith.constant 0 : i32
          %parallel_loop3A_163 = vector.broadcast %parallel_loop3A_161 : i32 to vector<16xi32>
          %parallel_loop3A_164 = vector.broadcast %parallel_loop3A_162 : i32 to vector<16xi32>
          %parallel_loop3A_165 = arith.select %parallel_loop3A_160, %parallel_loop3A_163, %parallel_loop3A_164 : vector<16xi1>, vector<16xi32>
          %parallel_loop3A_166 = arith.addi %parallel_loop3A_158, %parallel_loop3A_158 : vector<16xi32>
          %parallel_loop3A_167 = arith.addi %parallel_loop3A_166, %parallel_loop3A_165 : vector<16xi32>
          %parallel_loop3A_168 = tpu.vector_load_idx %arg11[%parallel_loop3A_167] : memref<16384xf32, #tpu.memory_space<vmem>>[vector<16xi32>], vector<16xf32>,
          %parallel_loop3A_169 = arith.mulf %parallel_loop3A_168, %parallel_loop3A_146 : vector<16xf32>
          %parallel_loop3A_170 = arith.constant 16 : i32
          %parallel_loop3A_171 = arith.muli %parallel_loop3A_150, %parallel_loop3A_170 : i32
          %parallel_loop3A_172 = arith.index_cast %parallel_loop3A_140 : i32 to index
          %parallel_loop3A_173 = arith.index_cast %parallel_loop3A_171 : i32 to index
          %parallel_loop3A_174 = tpu.vector_load %arg9[%parallel_loop3A_172, %parallel_loop3A_173] {strides = array<i32>} : memref<8x768xf32, #tpu.memory_space<vmem>>, vector<16xf32>,
          tpu.vector_store %arg9[%parallel_loop3A_172, %parallel_loop3A_173], %parallel_loop3A_169 {strides = array<i32>} : memref<8x768xf32, #tpu.memory_space<vmem>>, vector<16xf32>,
        } {sc.loop_unroll_factor = 8 : i64, sc.parallel_access}
      } {sc.loop_unroll_factor = 1 : i64, sc.parallel_access}
      %mul3A_92 = arith.constant 72 : i32
      %mul3A_93 = arith.muli %add3A, %mul3A_92 : i32
      %mul3A_94 = arith.constant 8 : i32
      %mul3A_95 = arith.muli %mul3A_63, %mul3A_94 : i32
      %add3A_96 = arith.addi %mul3A_93, %mul3A_95 : i32
      %dma_start3A_97 = arith.constant 0 : i32
      %dma_start3A_98 = tpu.memref_slice %arg6[%add3A_96, %dma_start3A_97] : memref<2304x768xf32, #tpu.memory_space<hbm>> -> memref<8x768xf32, #tpu.memory_space<hbm>>
      %dma_start3A_99 = arith.constant 0 : i32
      %dma_start3A_100 = tpu.memref_slice %arg6[%add3A_96, %dma_start3A_99] : memref<2304x768xf32, #tpu.memory_space<hbm>> -> memref<8x768xf32, #tpu.memory_space<hbm>>
      tpu.enqueue_dma source(%arg9 : memref<8x768xf32, #tpu.memory_space<vmem>>) target(%dma_start3A_100 : memref<8x768xf32, #tpu.memory_space<hbm>>) target_semaphore(%arg18 : memref<!tpu.dma_semaphore, #tpu.memory_space<semaphore_mem>>)
      %add3A_101 = arith.constant 2 : i32
      %add3A_102 = arith.addi %mul3A_63, %add3A_101 : i32
      %lt3A = arith.constant 9 : i32
      %lt3A_103 = arith.cmpi slt, %add3A_102, %lt3A : i32
      %convert_element_type3A_104 = arith.extui %lt3A_103 : i1 to i32
      %cond3A_105 = arith.constant 0 : i32
      %cond3A_106 = arith.cmpi ne, %convert_element_type3A_104, %cond3A_105 : i32
      scf.if %cond3A_106 {
        %add3A_140 = arith.constant 2 : i32
        %add3A_141 = arith.addi %mul3A_63, %add3A_140 : i32
        %mul3A_142 = arith.constant 72 : i32
        %mul3A_143 = arith.muli %add3A, %mul3A_142 : i32
        %mul3A_144 = arith.constant 8 : i32
        %mul3A_145 = arith.muli %add3A_141, %mul3A_144 : i32
        %add3A_146 = arith.addi %mul3A_143, %mul3A_145 : i32
        %dma_start3A_147 = arith.constant 0 : i32
        %dma_start3A_148 = tpu.memref_slice %arg2[%add3A_146, %dma_start3A_147] : memref<2304x768xf32, #tpu.memory_space<hbm>> -> memref<8x768xf32, #tpu.memory_space<hbm>>
        %dma_start3A_149 = arith.constant 0 : i32
        %dma_start3A_150 = tpu.memref_slice %arg2[%add3A_146, %dma_start3A_149] : memref<2304x768xf32, #tpu.memory_space<hbm>> -> memref<8x768xf32, #tpu.memory_space<hbm>>
        tpu.enqueue_dma source(%dma_start3A_150 : memref<8x768xf32, #tpu.memory_space<hbm>>) target(%arg7 : memref<8x768xf32, #tpu.memory_space<vmem>>) target_semaphore(%arg16 : memref<!tpu.dma_semaphore, #tpu.memory_space<semaphore_mem>>)
      } else {
      }
      %add3A_107 = arith.constant 1 : i32
      %add3A_108 = arith.addi %mul3A_63, %add3A_107 : i32
      %mul3A_109 = arith.constant 72 : i32
      %mul3A_110 = arith.muli %add3A, %mul3A_109 : i32
      %mul3A_111 = arith.constant 8 : i32
      %mul3A_112 = arith.muli %add3A_108, %mul3A_111 : i32
      %add3A_113 = arith.addi %mul3A_110, %mul3A_112 : i32
      %dma_wait3A_114 = arith.constant 0 : i32
      %dma_wait3A_115 = tpu.memref_slice %arg2[%add3A_113, %dma_wait3A_114] : memref<2304x768xf32, #tpu.memory_space<hbm>> -> memref<8x768xf32, #tpu.memory_space<hbm>>
      %dma_wait3A_116 = arith.constant 0 : i32
      %dma_wait3A_117 = tpu.memref_slice %arg2[%add3A_113, %dma_wait3A_116] : memref<2304x768xf32, #tpu.memory_space<hbm>> -> memref<8x768xf32, #tpu.memory_space<hbm>>
      tpu.wait_dma2 semaphore(%arg17 : memref<!tpu.dma_semaphore, #tpu.memory_space<semaphore_mem>>) src(%dma_wait3A_117 : memref<8x768xf32, #tpu.memory_space<hbm>>) dst(%arg8 : memref<8x768xf32, #tpu.memory_space<vmem>>)
      %gt3A_118 = arith.constant 0 : i32
      %gt3A_119 = arith.cmpi sgt, %scan3A_61, %gt3A_118 : i32
      %convert_element_type3A_120 = arith.extui %gt3A_119 : i1 to i32
      %cond3A_121 = arith.constant 0 : i32
      %cond3A_122 = arith.cmpi ne, %convert_element_type3A_120, %cond3A_121 : i32
      scf.if %cond3A_122 {
        %add3A_140 = arith.constant 1 : i32
        %add3A_141 = arith.addi %mul3A_63, %add3A_140 : i32
        %mul3A_142 = arith.constant 72 : i32
        %mul3A_143 = arith.muli %add3A, %mul3A_142 : i32
        %mul3A_144 = arith.constant 8 : i32
        %mul3A_145 = arith.muli %add3A_141, %mul3A_144 : i32
        %add3A_146 = arith.addi %mul3A_143, %mul3A_145 : i32
        %dma_wait3A_147 = arith.constant 0 : i32
        %dma_wait3A_148 = tpu.memref_slice %arg6[%add3A_146, %dma_wait3A_147] : memref<2304x768xf32, #tpu.memory_space<hbm>> -> memref<8x768xf32, #tpu.memory_space<hbm>>
        %dma_wait3A_149 = arith.constant 0 : i32
        %dma_wait3A_150 = tpu.memref_slice %arg6[%add3A_146, %dma_wait3A_149] : memref<2304x768xf32, #tpu.memory_space<hbm>> -> memref<8x768xf32, #tpu.memory_space<hbm>>
        tpu.wait_dma2 semaphore(%arg19 : memref<!tpu.dma_semaphore, #tpu.memory_space<semaphore_mem>>) src(%arg10 : memref<8x768xf32, #tpu.memory_space<vmem>>) dst(%dma_wait3A_150 : memref<8x768xf32, #tpu.memory_space<hbm>>)
      } else {
      }
      %parallel_loop3A_123 = arith.constant 0 : i32
      %parallel_loop3A_124 = arith.constant 8 : i32
      %parallel_loop3A_125 = arith.constant 1 : i32
      scf.for %parallel_loop3A_140 = %parallel_loop3A_123 to %parallel_loop3A_124 step %parallel_loop3A_125  : i32 {
        %parallel_loop3A_141 = arith.constant 0.000000e+00 : f32
        %parallel_loop3A_142 = vector.broadcast %parallel_loop3A_141 : f32 to vector<16xf32>
        %parallel_loop3A_143 = arith.constant 0 : i32
        %parallel_loop3A_144 = arith.constant 48 : i32
        %parallel_loop3A_145 = arith.constant 4 : i32
        %parallel_loop3A_146:4 = scf.for %parallel_loop3A_193 = %parallel_loop3A_143 to %parallel_loop3A_144 step %parallel_loop3A_145 iter_args(%parallel_loop3A_194 = %parallel_loop3A_142, %parallel_loop3A_195 = %parallel_loop3A_142, %parallel_loop3A_196 = %parallel_loop3A_142, %parallel_loop3A_197 = %parallel_loop3A_142) -> (vector<16xf32>, vector<16xf32>, vector<16xf32>, vector<16xf32>)  : i32 {
          %parallel_loop3A_198 = arith.constant 16 : i32
          %parallel_loop3A_199 = arith.muli %parallel_loop3A_193, %parallel_loop3A_198 : i32
          %parallel_loop3A_200 = arith.index_cast %parallel_loop3A_140 : i32 to index
          %parallel_loop3A_201 = arith.index_cast %parallel_loop3A_199 : i32 to index
          %parallel_loop3A_202 = tpu.vector_load %arg8[%parallel_loop3A_200, %parallel_loop3A_201] {strides = array<i32>} : memref<8x768xf32, #tpu.memory_space<vmem>>, vector<16xf32>,
          %parallel_loop3A_203 = arith.constant 1 : i32
          %parallel_loop3A_204 = arith.addi %parallel_loop3A_193, %parallel_loop3A_203 : i32
          %parallel_loop3A_205 = arith.constant 16 : i32
          %parallel_loop3A_206 = arith.muli %parallel_loop3A_204, %parallel_loop3A_205 : i32
          %parallel_loop3A_207 = arith.index_cast %parallel_loop3A_140 : i32 to index
          %parallel_loop3A_208 = arith.index_cast %parallel_loop3A_206 : i32 to index
          %parallel_loop3A_209 = tpu.vector_load %arg8[%parallel_loop3A_207, %parallel_loop3A_208] {strides = array<i32>} : memref<8x768xf32, #tpu.memory_space<vmem>>, vector<16xf32>,
          %parallel_loop3A_210 = arith.constant 2 : i32
          %parallel_loop3A_211 = arith.addi %parallel_loop3A_193, %parallel_loop3A_210 : i32
          %parallel_loop3A_212 = arith.constant 16 : i32
          %parallel_loop3A_213 = arith.muli %parallel_loop3A_211, %parallel_loop3A_212 : i32
          %parallel_loop3A_214 = arith.index_cast %parallel_loop3A_140 : i32 to index
          %parallel_loop3A_215 = arith.index_cast %parallel_loop3A_213 : i32 to index
          %parallel_loop3A_216 = tpu.vector_load %arg8[%parallel_loop3A_214, %parallel_loop3A_215] {strides = array<i32>} : memref<8x768xf32, #tpu.memory_space<vmem>>, vector<16xf32>,
          %parallel_loop3A_217 = arith.constant 3 : i32
          %parallel_loop3A_218 = arith.addi %parallel_loop3A_193, %parallel_loop3A_217 : i32
          %parallel_loop3A_219 = arith.constant 16 : i32
          %parallel_loop3A_220 = arith.muli %parallel_loop3A_218, %parallel_loop3A_219 : i32
          %parallel_loop3A_221 = arith.index_cast %parallel_loop3A_140 : i32 to index
          %parallel_loop3A_222 = arith.index_cast %parallel_loop3A_220 : i32 to index
          %parallel_loop3A_223 = tpu.vector_load %arg8[%parallel_loop3A_221, %parallel_loop3A_222] {strides = array<i32>} : memref<8x768xf32, #tpu.memory_space<vmem>>, vector<16xf32>,
          %parallel_loop3A_224 = arith.mulf %parallel_loop3A_202, %parallel_loop3A_202 : vector<16xf32>
          %parallel_loop3A_225 = arith.addf %parallel_loop3A_194, %parallel_loop3A_224 : vector<16xf32>
          %parallel_loop3A_226 = arith.mulf %parallel_loop3A_209, %parallel_loop3A_209 : vector<16xf32>
          %parallel_loop3A_227 = arith.addf %parallel_loop3A_195, %parallel_loop3A_226 : vector<16xf32>
          %parallel_loop3A_228 = arith.mulf %parallel_loop3A_216, %parallel_loop3A_216 : vector<16xf32>
          %parallel_loop3A_229 = arith.addf %parallel_loop3A_196, %parallel_loop3A_228 : vector<16xf32>
          %parallel_loop3A_230 = arith.mulf %parallel_loop3A_223, %parallel_loop3A_223 : vector<16xf32>
          %parallel_loop3A_231 = arith.addf %parallel_loop3A_197, %parallel_loop3A_230 : vector<16xf32>
          scf.yield %parallel_loop3A_225, %parallel_loop3A_227, %parallel_loop3A_229, %parallel_loop3A_231 : vector<16xf32>, vector<16xf32>, vector<16xf32>, vector<16xf32>
        } {sc.loop_unroll_factor = 2 : i64, sc.parallel_access}
        %parallel_loop3A_147 = arith.addf %parallel_loop3A_146#0, %parallel_loop3A_146#1 : vector<16xf32>
        %parallel_loop3A_148 = arith.addf %parallel_loop3A_146#2, %parallel_loop3A_146#3 : vector<16xf32>
        %parallel_loop3A_149 = arith.addf %parallel_loop3A_147, %parallel_loop3A_148 : vector<16xf32>
        %parallel_loop3A_150 = arith.constant true
        %parallel_loop3A_151 = vector.broadcast %parallel_loop3A_150 : i1 to vector<16xi1>
        %parallel_loop3A_152 = tpu.scan <sum>, %parallel_loop3A_149 masked %parallel_loop3A_151 : vector<16xf32>, vector<16xi1> -> vector<16xf32>
        %parallel_loop3A_153 = vector.extract %parallel_loop3A_152[15] : f32 from vector<16xf32>
        %parallel_loop3A_154 = arith.constant 0.00130208337 : f32
        %parallel_loop3A_155 = arith.mulf %parallel_loop3A_153, %parallel_loop3A_154 : f32
        %parallel_loop3A_156 = vector.broadcast %parallel_loop3A_155 : f32 to vector<16xf32>
        %parallel_loop3A_157 = vector.bitcast %parallel_loop3A_156 : vector<16xf32> to vector<16xi32>
        %parallel_loop3A_158 = arith.constant 1 : i32
        %parallel_loop3A_159 = vector.broadcast %parallel_loop3A_158 : i32 to vector<16xi32>
        %parallel_loop3A_160 = arith.shrsi %parallel_loop3A_157, %parallel_loop3A_159 : vector<16xi32>
        %parallel_loop3A_161 = arith.constant 532487670 : i32
        %parallel_loop3A_162 = vector.broadcast %parallel_loop3A_161 : i32 to vector<16xi32>
        %parallel_loop3A_163 = arith.addi %parallel_loop3A_160, %parallel_loop3A_162 : vector<16xi32>
        %parallel_loop3A_164 = vector.bitcast %parallel_loop3A_163 : vector<16xi32> to vector<16xf32>
        %parallel_loop3A_165 = arith.divf %parallel_loop3A_156, %parallel_loop3A_164 : vector<16xf32>
        %parallel_loop3A_166 = arith.addf %parallel_loop3A_164, %parallel_loop3A_165 : vector<16xf32>
        %parallel_loop3A_167 = arith.constant 5.000000e-01 : f32
        %parallel_loop3A_168 = vector.broadcast %parallel_loop3A_167 : f32 to vector<16xf32>
        %parallel_loop3A_169 = arith.mulf %parallel_loop3A_168, %parallel_loop3A_166 : vector<16xf32>
        %parallel_loop3A_170 = arith.divf %parallel_loop3A_156, %parallel_loop3A_169 : vector<16xf32>
        %parallel_loop3A_171 = arith.addf %parallel_loop3A_169, %parallel_loop3A_170 : vector<16xf32>
        %parallel_loop3A_172 = arith.constant 5.000000e-01 : f32
        %parallel_loop3A_173 = vector.broadcast %parallel_loop3A_172 : f32 to vector<16xf32>
        %parallel_loop3A_174 = arith.mulf %parallel_loop3A_173, %parallel_loop3A_171 : vector<16xf32>
        %parallel_loop3A_175 = arith.divf %parallel_loop3A_156, %parallel_loop3A_174 : vector<16xf32>
        %parallel_loop3A_176 = arith.addf %parallel_loop3A_174, %parallel_loop3A_175 : vector<16xf32>
        %parallel_loop3A_177 = arith.constant 5.000000e-01 : f32
        %parallel_loop3A_178 = vector.broadcast %parallel_loop3A_177 : f32 to vector<16xf32>
        %parallel_loop3A_179 = arith.mulf %parallel_loop3A_178, %parallel_loop3A_176 : vector<16xf32>
        %parallel_loop3A_180 = arith.constant 9.99999993E-9 : f32
        %parallel_loop3A_181 = vector.broadcast %parallel_loop3A_180 : f32 to vector<16xf32>
        %parallel_loop3A_182 = arith.addf %parallel_loop3A_179, %parallel_loop3A_181 : vector<16xf32>
        %parallel_loop3A_183 = arith.index_cast %parallel_loop3A_140 : i32 to index
        %parallel_loop3A_184 = arith.constant 0 : index
        %parallel_loop3A_185 = tpu.vector_load %arg15[%parallel_loop3A_183, %parallel_loop3A_184] {strides = array<i32>} : memref<8x16xf32, #tpu.memory_space<vmem>>, vector<16xf32>,
        tpu.vector_store %arg15[%parallel_loop3A_183, %parallel_loop3A_184], %parallel_loop3A_182 {strides = array<i32>} : memref<8x16xf32, #tpu.memory_space<vmem>>, vector<16xf32>,
        %parallel_loop3A_186 = arith.constant 1.000000e+00 : f32
        %parallel_loop3A_187 = vector.broadcast %parallel_loop3A_186 : f32 to vector<16xf32>
        %parallel_loop3A_188 = arith.divf %parallel_loop3A_187, %parallel_loop3A_182 : vector<16xf32>
        %parallel_loop3A_189 = arith.mulf %parallel_loop3A_188, %broadcast_in_dim3A : vector<16xf32>
        %parallel_loop3A_190 = arith.index_cast %parallel_loop3A_140 : i32 to index
        %parallel_loop3A_191 = arith.constant 0 : index
        %parallel_loop3A_192 = tpu.vector_load %arg14[%parallel_loop3A_190, %parallel_loop3A_191] {strides = array<i32>} : memref<8x16xf32, #tpu.memory_space<vmem>>, vector<16xf32>,
        tpu.vector_store %arg14[%parallel_loop3A_190, %parallel_loop3A_191], %parallel_loop3A_189 {strides = array<i32>} : memref<8x16xf32, #tpu.memory_space<vmem>>, vector<16xf32>,
      } {sc.loop_unroll_factor = 1 : i64, sc.parallel_access}
      %parallel_loop3A_126 = arith.constant 0 : i32
      %parallel_loop3A_127 = arith.constant 8 : i32
      %parallel_loop3A_128 = arith.constant 1 : i32
      scf.for %parallel_loop3A_140 = %parallel_loop3A_126 to %parallel_loop3A_127 step %parallel_loop3A_128  : i32 {
        %parallel_loop3A_141 = arith.index_cast %parallel_loop3A_140 : i32 to index
        %parallel_loop3A_142 = arith.constant 0 : index
        %parallel_loop3A_143 = tpu.vector_load %arg14[%parallel_loop3A_141, %parallel_loop3A_142] {strides = array<i32>} : memref<8x16xf32, #tpu.memory_space<vmem>>, vector<16xf32>,
        %parallel_loop3A_144 = arith.index_cast %parallel_loop3A_140 : i32 to index
        %parallel_loop3A_145 = arith.constant 0 : index
        %parallel_loop3A_146 = tpu.vector_load %arg15[%parallel_loop3A_144, %parallel_loop3A_145] {strides = array<i32>} : memref<8x16xf32, #tpu.memory_space<vmem>>, vector<16xf32>,
        %parallel_loop3A_147 = arith.constant 0 : i32
        %parallel_loop3A_148 = arith.constant 48 : i32
        %parallel_loop3A_149 = arith.constant 1 : i32
        scf.for %parallel_loop3A_150 = %parallel_loop3A_147 to %parallel_loop3A_148 step %parallel_loop3A_149  : i32 {
          %parallel_loop3A_151 = arith.constant 16 : i32
          %parallel_loop3A_152 = arith.muli %parallel_loop3A_150, %parallel_loop3A_151 : i32
          %parallel_loop3A_153 = arith.index_cast %parallel_loop3A_140 : i32 to index
          %parallel_loop3A_154 = arith.index_cast %parallel_loop3A_152 : i32 to index
          %parallel_loop3A_155 = tpu.vector_load %arg8[%parallel_loop3A_153, %parallel_loop3A_154] {strides = array<i32>} : memref<8x768xf32, #tpu.memory_space<vmem>>, vector<16xf32>,
          %parallel_loop3A_156 = arith.mulf %parallel_loop3A_155, %parallel_loop3A_143 : vector<16xf32>
          %parallel_loop3A_157 = arith.addf %parallel_loop3A_156, %broadcast_in_dim3A_4 : vector<16xf32>
          %parallel_loop3A_158 = arith.fptosi %parallel_loop3A_157 : vector<16xf32> to vector<16xi32>
          %parallel_loop3A_159 = tpu.vector_load_idx %arg12[%parallel_loop3A_158] : memref<8192xf32, #tpu.memory_space<vmem>>[vector<16xi32>], vector<16xf32>,
          %parallel_loop3A_160 = arith.cmpf ogt, %parallel_loop3A_157, %parallel_loop3A_159 : vector<16xf32>
          %parallel_loop3A_161 = arith.constant 1 : i32
          %parallel_loop3A_162 = arith.constant 0 : i32
          %parallel_loop3A_163 = vector.broadcast %parallel_loop3A_161 : i32 to vector<16xi32>
          %parallel_loop3A_164 = vector.broadcast %parallel_loop3A_162 : i32 to vector<16xi32>
          %parallel_loop3A_165 = arith.select %parallel_loop3A_160, %parallel_loop3A_163, %parallel_loop3A_164 : vector<16xi1>, vector<16xi32>
          %parallel_loop3A_166 = arith.addi %parallel_loop3A_158, %parallel_loop3A_158 : vector<16xi32>
          %parallel_loop3A_167 = arith.addi %parallel_loop3A_166, %parallel_loop3A_165 : vector<16xi32>
          %parallel_loop3A_168 = tpu.vector_load_idx %arg11[%parallel_loop3A_167] : memref<16384xf32, #tpu.memory_space<vmem>>[vector<16xi32>], vector<16xf32>,
          %parallel_loop3A_169 = arith.mulf %parallel_loop3A_168, %parallel_loop3A_146 : vector<16xf32>
          %parallel_loop3A_170 = arith.constant 16 : i32
          %parallel_loop3A_171 = arith.muli %parallel_loop3A_150, %parallel_loop3A_170 : i32
          %parallel_loop3A_172 = arith.index_cast %parallel_loop3A_140 : i32 to index
          %parallel_loop3A_173 = arith.index_cast %parallel_loop3A_171 : i32 to index
          %parallel_loop3A_174 = tpu.vector_load %arg10[%parallel_loop3A_172, %parallel_loop3A_173] {strides = array<i32>} : memref<8x768xf32, #tpu.memory_space<vmem>>, vector<16xf32>,
          tpu.vector_store %arg10[%parallel_loop3A_172, %parallel_loop3A_173], %parallel_loop3A_169 {strides = array<i32>} : memref<8x768xf32, #tpu.memory_space<vmem>>, vector<16xf32>,
        } {sc.loop_unroll_factor = 8 : i64, sc.parallel_access}
      } {sc.loop_unroll_factor = 1 : i64, sc.parallel_access}
      %add3A_129 = arith.constant 1 : i32
      %add3A_130 = arith.addi %mul3A_63, %add3A_129 : i32
      %mul3A_131 = arith.constant 72 : i32
      %mul3A_132 = arith.muli %add3A, %mul3A_131 : i32
      %mul3A_133 = arith.constant 8 : i32
      %mul3A_134 = arith.muli %add3A_130, %mul3A_133 : i32
      %add3A_135 = arith.addi %mul3A_132, %mul3A_134 : i32
      %dma_start3A_136 = arith.constant 0 : i32
      %dma_start3A_137 = tpu.memref_slice %arg6[%add3A_135, %dma_start3A_136] : memref<2304x768xf32, #tpu.memory_space<hbm>> -> memref<8x768xf32, #tpu.memory_space<hbm>>
      %dma_start3A_138 = arith.constant 0 : i32
      %dma_start3A_139 = tpu.memref_slice %arg6[%add3A_135, %dma_start3A_138] : memref<2304x768xf32, #tpu.memory_space<hbm>> -> memref<8x768xf32, #tpu.memory_space<hbm>>
      tpu.enqueue_dma source(%arg10 : memref<8x768xf32, #tpu.memory_space<vmem>>) target(%dma_start3A_139 : memref<8x768xf32, #tpu.memory_space<hbm>>) target_semaphore(%arg19 : memref<!tpu.dma_semaphore, #tpu.memory_space<semaphore_mem>>)
    }
    %scan3A_16 = arith.constant 4 : i32
    %mul3A_17 = arith.constant 72 : i32
    %mul3A_18 = arith.muli %add3A, %mul3A_17 : i32
    %add3A_19 = arith.constant 64 : i32
    %add3A_20 = arith.addi %mul3A_18, %add3A_19 : i32
    %dma_wait3A = arith.constant 0 : i32
    %dma_wait3A_21 = tpu.memref_slice %arg2[%add3A_20, %dma_wait3A] : memref<2304x768xf32, #tpu.memory_space<hbm>> -> memref<8x768xf32, #tpu.memory_space<hbm>>
    %dma_wait3A_22 = arith.constant 0 : i32
    %dma_wait3A_23 = tpu.memref_slice %arg2[%add3A_20, %dma_wait3A_22] : memref<2304x768xf32, #tpu.memory_space<hbm>> -> memref<8x768xf32, #tpu.memory_space<hbm>>
    tpu.wait_dma2 semaphore(%arg16 : memref<!tpu.dma_semaphore, #tpu.memory_space<semaphore_mem>>) src(%dma_wait3A_23 : memref<8x768xf32, #tpu.memory_space<hbm>>) dst(%arg7 : memref<8x768xf32, #tpu.memory_space<vmem>>)
    %mul3A_24 = arith.constant 72 : i32
    %mul3A_25 = arith.muli %add3A, %mul3A_24 : i32
    %add3A_26 = arith.constant 48 : i32
    %add3A_27 = arith.addi %mul3A_25, %add3A_26 : i32
    %dma_wait3A_28 = arith.constant 0 : i32
    %dma_wait3A_29 = tpu.memref_slice %arg6[%add3A_27, %dma_wait3A_28] : memref<2304x768xf32, #tpu.memory_space<hbm>> -> memref<8x768xf32, #tpu.memory_space<hbm>>
    %dma_wait3A_30 = arith.constant 0 : i32
    %dma_wait3A_31 = tpu.memref_slice %arg6[%add3A_27, %dma_wait3A_30] : memref<2304x768xf32, #tpu.memory_space<hbm>> -> memref<8x768xf32, #tpu.memory_space<hbm>>
    tpu.wait_dma2 semaphore(%arg18 : memref<!tpu.dma_semaphore, #tpu.memory_space<semaphore_mem>>) src(%arg9 : memref<8x768xf32, #tpu.memory_space<vmem>>) dst(%dma_wait3A_31 : memref<8x768xf32, #tpu.memory_space<hbm>>)
    %parallel_loop3A = arith.constant 0 : i32
    %parallel_loop3A_32 = arith.constant 8 : i32
    %parallel_loop3A_33 = arith.constant 1 : i32
    scf.for %parallel_loop3A_61 = %parallel_loop3A to %parallel_loop3A_32 step %parallel_loop3A_33  : i32 {
      %parallel_loop3A_62 = arith.constant 0.000000e+00 : f32
      %parallel_loop3A_63 = vector.broadcast %parallel_loop3A_62 : f32 to vector<16xf32>
      %parallel_loop3A_64 = arith.constant 0 : i32
      %parallel_loop3A_65 = arith.constant 48 : i32
      %parallel_loop3A_66 = arith.constant 4 : i32
      %parallel_loop3A_67:4 = scf.for %parallel_loop3A_114 = %parallel_loop3A_64 to %parallel_loop3A_65 step %parallel_loop3A_66 iter_args(%parallel_loop3A_115 = %parallel_loop3A_63, %parallel_loop3A_116 = %parallel_loop3A_63, %parallel_loop3A_117 = %parallel_loop3A_63, %parallel_loop3A_118 = %parallel_loop3A_63) -> (vector<16xf32>, vector<16xf32>, vector<16xf32>, vector<16xf32>)  : i32 {
        %parallel_loop3A_119 = arith.constant 16 : i32
        %parallel_loop3A_120 = arith.muli %parallel_loop3A_114, %parallel_loop3A_119 : i32
        %parallel_loop3A_121 = arith.index_cast %parallel_loop3A_61 : i32 to index
        %parallel_loop3A_122 = arith.index_cast %parallel_loop3A_120 : i32 to index
        %parallel_loop3A_123 = tpu.vector_load %arg7[%parallel_loop3A_121, %parallel_loop3A_122] {strides = array<i32>} : memref<8x768xf32, #tpu.memory_space<vmem>>, vector<16xf32>,
        %parallel_loop3A_124 = arith.constant 1 : i32
        %parallel_loop3A_125 = arith.addi %parallel_loop3A_114, %parallel_loop3A_124 : i32
        %parallel_loop3A_126 = arith.constant 16 : i32
        %parallel_loop3A_127 = arith.muli %parallel_loop3A_125, %parallel_loop3A_126 : i32
        %parallel_loop3A_128 = arith.index_cast %parallel_loop3A_61 : i32 to index
        %parallel_loop3A_129 = arith.index_cast %parallel_loop3A_127 : i32 to index
        %parallel_loop3A_130 = tpu.vector_load %arg7[%parallel_loop3A_128, %parallel_loop3A_129] {strides = array<i32>} : memref<8x768xf32, #tpu.memory_space<vmem>>, vector<16xf32>,
        %parallel_loop3A_131 = arith.constant 2 : i32
        %parallel_loop3A_132 = arith.addi %parallel_loop3A_114, %parallel_loop3A_131 : i32
        %parallel_loop3A_133 = arith.constant 16 : i32
        %parallel_loop3A_134 = arith.muli %parallel_loop3A_132, %parallel_loop3A_133 : i32
        %parallel_loop3A_135 = arith.index_cast %parallel_loop3A_61 : i32 to index
        %parallel_loop3A_136 = arith.index_cast %parallel_loop3A_134 : i32 to index
        %parallel_loop3A_137 = tpu.vector_load %arg7[%parallel_loop3A_135, %parallel_loop3A_136] {strides = array<i32>} : memref<8x768xf32, #tpu.memory_space<vmem>>, vector<16xf32>,
        %parallel_loop3A_138 = arith.constant 3 : i32
        %parallel_loop3A_139 = arith.addi %parallel_loop3A_114, %parallel_loop3A_138 : i32
        %parallel_loop3A_140 = arith.constant 16 : i32
        %parallel_loop3A_141 = arith.muli %parallel_loop3A_139, %parallel_loop3A_140 : i32
        %parallel_loop3A_142 = arith.index_cast %parallel_loop3A_61 : i32 to index
        %parallel_loop3A_143 = arith.index_cast %parallel_loop3A_141 : i32 to index
        %parallel_loop3A_144 = tpu.vector_load %arg7[%parallel_loop3A_142, %parallel_loop3A_143] {strides = array<i32>} : memref<8x768xf32, #tpu.memory_space<vmem>>, vector<16xf32>,
        %parallel_loop3A_145 = arith.mulf %parallel_loop3A_123, %parallel_loop3A_123 : vector<16xf32>
        %parallel_loop3A_146 = arith.addf %parallel_loop3A_115, %parallel_loop3A_145 : vector<16xf32>
        %parallel_loop3A_147 = arith.mulf %parallel_loop3A_130, %parallel_loop3A_130 : vector<16xf32>
        %parallel_loop3A_148 = arith.addf %parallel_loop3A_116, %parallel_loop3A_147 : vector<16xf32>
        %parallel_loop3A_149 = arith.mulf %parallel_loop3A_137, %parallel_loop3A_137 : vector<16xf32>
        %parallel_loop3A_150 = arith.addf %parallel_loop3A_117, %parallel_loop3A_149 : vector<16xf32>
        %parallel_loop3A_151 = arith.mulf %parallel_loop3A_144, %parallel_loop3A_144 : vector<16xf32>
        %parallel_loop3A_152 = arith.addf %parallel_loop3A_118, %parallel_loop3A_151 : vector<16xf32>
        scf.yield %parallel_loop3A_146, %parallel_loop3A_148, %parallel_loop3A_150, %parallel_loop3A_152 : vector<16xf32>, vector<16xf32>, vector<16xf32>, vector<16xf32>
      } {sc.loop_unroll_factor = 2 : i64, sc.parallel_access}
      %parallel_loop3A_68 = arith.addf %parallel_loop3A_67#0, %parallel_loop3A_67#1 : vector<16xf32>
      %parallel_loop3A_69 = arith.addf %parallel_loop3A_67#2, %parallel_loop3A_67#3 : vector<16xf32>
      %parallel_loop3A_70 = arith.addf %parallel_loop3A_68, %parallel_loop3A_69 : vector<16xf32>
      %parallel_loop3A_71 = arith.constant true
      %parallel_loop3A_72 = vector.broadcast %parallel_loop3A_71 : i1 to vector<16xi1>
      %parallel_loop3A_73 = tpu.scan <sum>, %parallel_loop3A_70 masked %parallel_loop3A_72 : vector<16xf32>, vector<16xi1> -> vector<16xf32>
      %parallel_loop3A_74 = vector.extract %parallel_loop3A_73[15] : f32 from vector<16xf32>
      %parallel_loop3A_75 = arith.constant 0.00130208337 : f32
      %parallel_loop3A_76 = arith.mulf %parallel_loop3A_74, %parallel_loop3A_75 : f32
      %parallel_loop3A_77 = vector.broadcast %parallel_loop3A_76 : f32 to vector<16xf32>
      %parallel_loop3A_78 = vector.bitcast %parallel_loop3A_77 : vector<16xf32> to vector<16xi32>
      %parallel_loop3A_79 = arith.constant 1 : i32
      %parallel_loop3A_80 = vector.broadcast %parallel_loop3A_79 : i32 to vector<16xi32>
      %parallel_loop3A_81 = arith.shrsi %parallel_loop3A_78, %parallel_loop3A_80 : vector<16xi32>
      %parallel_loop3A_82 = arith.constant 532487670 : i32
      %parallel_loop3A_83 = vector.broadcast %parallel_loop3A_82 : i32 to vector<16xi32>
      %parallel_loop3A_84 = arith.addi %parallel_loop3A_81, %parallel_loop3A_83 : vector<16xi32>
      %parallel_loop3A_85 = vector.bitcast %parallel_loop3A_84 : vector<16xi32> to vector<16xf32>
      %parallel_loop3A_86 = arith.divf %parallel_loop3A_77, %parallel_loop3A_85 : vector<16xf32>
      %parallel_loop3A_87 = arith.addf %parallel_loop3A_85, %parallel_loop3A_86 : vector<16xf32>
      %parallel_loop3A_88 = arith.constant 5.000000e-01 : f32
      %parallel_loop3A_89 = vector.broadcast %parallel_loop3A_88 : f32 to vector<16xf32>
      %parallel_loop3A_90 = arith.mulf %parallel_loop3A_89, %parallel_loop3A_87 : vector<16xf32>
      %parallel_loop3A_91 = arith.divf %parallel_loop3A_77, %parallel_loop3A_90 : vector<16xf32>
      %parallel_loop3A_92 = arith.addf %parallel_loop3A_90, %parallel_loop3A_91 : vector<16xf32>
      %parallel_loop3A_93 = arith.constant 5.000000e-01 : f32
      %parallel_loop3A_94 = vector.broadcast %parallel_loop3A_93 : f32 to vector<16xf32>
      %parallel_loop3A_95 = arith.mulf %parallel_loop3A_94, %parallel_loop3A_92 : vector<16xf32>
      %parallel_loop3A_96 = arith.divf %parallel_loop3A_77, %parallel_loop3A_95 : vector<16xf32>
      %parallel_loop3A_97 = arith.addf %parallel_loop3A_95, %parallel_loop3A_96 : vector<16xf32>
      %parallel_loop3A_98 = arith.constant 5.000000e-01 : f32
      %parallel_loop3A_99 = vector.broadcast %parallel_loop3A_98 : f32 to vector<16xf32>
      %parallel_loop3A_100 = arith.mulf %parallel_loop3A_99, %parallel_loop3A_97 : vector<16xf32>
      %parallel_loop3A_101 = arith.constant 9.99999993E-9 : f32
      %parallel_loop3A_102 = vector.broadcast %parallel_loop3A_101 : f32 to vector<16xf32>
      %parallel_loop3A_103 = arith.addf %parallel_loop3A_100, %parallel_loop3A_102 : vector<16xf32>
      %parallel_loop3A_104 = arith.index_cast %parallel_loop3A_61 : i32 to index
      %parallel_loop3A_105 = arith.constant 0 : index
      %parallel_loop3A_106 = tpu.vector_load %arg15[%parallel_loop3A_104, %parallel_loop3A_105] {strides = array<i32>} : memref<8x16xf32, #tpu.memory_space<vmem>>, vector<16xf32>,
      tpu.vector_store %arg15[%parallel_loop3A_104, %parallel_loop3A_105], %parallel_loop3A_103 {strides = array<i32>} : memref<8x16xf32, #tpu.memory_space<vmem>>, vector<16xf32>,
      %parallel_loop3A_107 = arith.constant 1.000000e+00 : f32
      %parallel_loop3A_108 = vector.broadcast %parallel_loop3A_107 : f32 to vector<16xf32>
      %parallel_loop3A_109 = arith.divf %parallel_loop3A_108, %parallel_loop3A_103 : vector<16xf32>
      %parallel_loop3A_110 = arith.mulf %parallel_loop3A_109, %broadcast_in_dim3A : vector<16xf32>
      %parallel_loop3A_111 = arith.index_cast %parallel_loop3A_61 : i32 to index
      %parallel_loop3A_112 = arith.constant 0 : index
      %parallel_loop3A_113 = tpu.vector_load %arg14[%parallel_loop3A_111, %parallel_loop3A_112] {strides = array<i32>} : memref<8x16xf32, #tpu.memory_space<vmem>>, vector<16xf32>,
      tpu.vector_store %arg14[%parallel_loop3A_111, %parallel_loop3A_112], %parallel_loop3A_110 {strides = array<i32>} : memref<8x16xf32, #tpu.memory_space<vmem>>, vector<16xf32>,
    } {sc.loop_unroll_factor = 1 : i64, sc.parallel_access}
    %parallel_loop3A_34 = arith.constant 0 : i32
    %parallel_loop3A_35 = arith.constant 8 : i32
    %parallel_loop3A_36 = arith.constant 1 : i32
    scf.for %parallel_loop3A_61 = %parallel_loop3A_34 to %parallel_loop3A_35 step %parallel_loop3A_36  : i32 {
      %parallel_loop3A_62 = arith.index_cast %parallel_loop3A_61 : i32 to index
      %parallel_loop3A_63 = arith.constant 0 : index
      %parallel_loop3A_64 = tpu.vector_load %arg14[%parallel_loop3A_62, %parallel_loop3A_63] {strides = array<i32>} : memref<8x16xf32, #tpu.memory_space<vmem>>, vector<16xf32>,
      %parallel_loop3A_65 = arith.index_cast %parallel_loop3A_61 : i32 to index
      %parallel_loop3A_66 = arith.constant 0 : index
      %parallel_loop3A_67 = tpu.vector_load %arg15[%parallel_loop3A_65, %parallel_loop3A_66] {strides = array<i32>} : memref<8x16xf32, #tpu.memory_space<vmem>>, vector<16xf32>,
      %parallel_loop3A_68 = arith.constant 0 : i32
      %parallel_loop3A_69 = arith.constant 48 : i32
      %parallel_loop3A_70 = arith.constant 1 : i32
      scf.for %parallel_loop3A_71 = %parallel_loop3A_68 to %parallel_loop3A_69 step %parallel_loop3A_70  : i32 {
        %parallel_loop3A_72 = arith.constant 16 : i32
        %parallel_loop3A_73 = arith.muli %parallel_loop3A_71, %parallel_loop3A_72 : i32
        %parallel_loop3A_74 = arith.index_cast %parallel_loop3A_61 : i32 to index
        %parallel_loop3A_75 = arith.index_cast %parallel_loop3A_73 : i32 to index
        %parallel_loop3A_76 = tpu.vector_load %arg7[%parallel_loop3A_74, %parallel_loop3A_75] {strides = array<i32>} : memref<8x768xf32, #tpu.memory_space<vmem>>, vector<16xf32>,
        %parallel_loop3A_77 = arith.mulf %parallel_loop3A_76, %parallel_loop3A_64 : vector<16xf32>
        %parallel_loop3A_78 = arith.addf %parallel_loop3A_77, %broadcast_in_dim3A_4 : vector<16xf32>
        %parallel_loop3A_79 = arith.fptosi %parallel_loop3A_78 : vector<16xf32> to vector<16xi32>
        %parallel_loop3A_80 = tpu.vector_load_idx %arg12[%parallel_loop3A_79] : memref<8192xf32, #tpu.memory_space<vmem>>[vector<16xi32>], vector<16xf32>,
        %parallel_loop3A_81 = arith.cmpf ogt, %parallel_loop3A_78, %parallel_loop3A_80 : vector<16xf32>
        %parallel_loop3A_82 = arith.constant 1 : i32
        %parallel_loop3A_83 = arith.constant 0 : i32
        %parallel_loop3A_84 = vector.broadcast %parallel_loop3A_82 : i32 to vector<16xi32>
        %parallel_loop3A_85 = vector.broadcast %parallel_loop3A_83 : i32 to vector<16xi32>
        %parallel_loop3A_86 = arith.select %parallel_loop3A_81, %parallel_loop3A_84, %parallel_loop3A_85 : vector<16xi1>, vector<16xi32>
        %parallel_loop3A_87 = arith.addi %parallel_loop3A_79, %parallel_loop3A_79 : vector<16xi32>
        %parallel_loop3A_88 = arith.addi %parallel_loop3A_87, %parallel_loop3A_86 : vector<16xi32>
        %parallel_loop3A_89 = tpu.vector_load_idx %arg11[%parallel_loop3A_88] : memref<16384xf32, #tpu.memory_space<vmem>>[vector<16xi32>], vector<16xf32>,
        %parallel_loop3A_90 = arith.mulf %parallel_loop3A_89, %parallel_loop3A_67 : vector<16xf32>
        %parallel_loop3A_91 = arith.constant 16 : i32
        %parallel_loop3A_92 = arith.muli %parallel_loop3A_71, %parallel_loop3A_91 : i32
        %parallel_loop3A_93 = arith.index_cast %parallel_loop3A_61 : i32 to index
        %parallel_loop3A_94 = arith.index_cast %parallel_loop3A_92 : i32 to index
        %parallel_loop3A_95 = tpu.vector_load %arg9[%parallel_loop3A_93, %parallel_loop3A_94] {strides = array<i32>} : memref<8x768xf32, #tpu.memory_space<vmem>>, vector<16xf32>,
        tpu.vector_store %arg9[%parallel_loop3A_93, %parallel_loop3A_94], %parallel_loop3A_90 {strides = array<i32>} : memref<8x768xf32, #tpu.memory_space<vmem>>, vector<16xf32>,
      } {sc.loop_unroll_factor = 8 : i64, sc.parallel_access}
    } {sc.loop_unroll_factor = 1 : i64, sc.parallel_access}
    %mul3A_37 = arith.constant 72 : i32
    %mul3A_38 = arith.muli %add3A, %mul3A_37 : i32
    %add3A_39 = arith.constant 64 : i32
    %add3A_40 = arith.addi %mul3A_38, %add3A_39 : i32
    %dma_start3A_41 = arith.constant 0 : i32
    %dma_start3A_42 = tpu.memref_slice %arg6[%add3A_40, %dma_start3A_41] : memref<2304x768xf32, #tpu.memory_space<hbm>> -> memref<8x768xf32, #tpu.memory_space<hbm>>
    %dma_start3A_43 = arith.constant 0 : i32
    %dma_start3A_44 = tpu.memref_slice %arg6[%add3A_40, %dma_start3A_43] : memref<2304x768xf32, #tpu.memory_space<hbm>> -> memref<8x768xf32, #tpu.memory_space<hbm>>
    tpu.enqueue_dma source(%arg9 : memref<8x768xf32, #tpu.memory_space<vmem>>) target(%dma_start3A_44 : memref<8x768xf32, #tpu.memory_space<hbm>>) target_semaphore(%arg18 : memref<!tpu.dma_semaphore, #tpu.memory_space<semaphore_mem>>)
    %mul3A_45 = arith.constant 72 : i32
    %mul3A_46 = arith.muli %add3A, %mul3A_45 : i32
    %add3A_47 = arith.constant 56 : i32
    %add3A_48 = arith.addi %mul3A_46, %add3A_47 : i32
    %dma_wait3A_49 = arith.constant 0 : i32
    %dma_wait3A_50 = tpu.memref_slice %arg6[%add3A_48, %dma_wait3A_49] : memref<2304x768xf32, #tpu.memory_space<hbm>> -> memref<8x768xf32, #tpu.memory_space<hbm>>
    %dma_wait3A_51 = arith.constant 0 : i32
    %dma_wait3A_52 = tpu.memref_slice %arg6[%add3A_48, %dma_wait3A_51] : memref<2304x768xf32, #tpu.memory_space<hbm>> -> memref<8x768xf32, #tpu.memory_space<hbm>>
    tpu.wait_dma2 semaphore(%arg18 : memref<!tpu.dma_semaphore, #tpu.memory_space<semaphore_mem>>) src(%arg9 : memref<8x768xf32, #tpu.memory_space<vmem>>) dst(%dma_wait3A_52 : memref<8x768xf32, #tpu.memory_space<hbm>>)
    %mul3A_53 = arith.constant 72 : i32
    %mul3A_54 = arith.muli %add3A, %mul3A_53 : i32
    %add3A_55 = arith.constant 64 : i32
    %add3A_56 = arith.addi %mul3A_54, %add3A_55 : i32
    %dma_wait3A_57 = arith.constant 0 : i32
    %dma_wait3A_58 = tpu.memref_slice %arg6[%add3A_56, %dma_wait3A_57] : memref<2304x768xf32, #tpu.memory_space<hbm>> -> memref<8x768xf32, #tpu.memory_space<hbm>>
    %dma_wait3A_59 = arith.constant 0 : i32
    %dma_wait3A_60 = tpu.memref_slice %arg6[%add3A_56, %dma_wait3A_59] : memref<2304x768xf32, #tpu.memory_space<hbm>> -> memref<8x768xf32, #tpu.memory_space<hbm>>
    tpu.wait_dma2 semaphore(%arg19 : memref<!tpu.dma_semaphore, #tpu.memory_space<semaphore_mem>>) src(%arg10 : memref<8x768xf32, #tpu.memory_space<vmem>>) dst(%dma_wait3A_60 : memref<8x768xf32, #tpu.memory_space<hbm>>)
    return
  }
}

module attributes {stable_mosaic.version = 14 : i64} {
  func.func @body(%arg0: i32, %arg1: memref<3x16xf32, #tpu.memory_space<vmem>>, %arg2: memref<192x768xf32, #tpu.memory_space<vmem>>, %arg3: memref<192x768xf32, #tpu.memory_space<vmem>>) attributes {dimension_semantics = [#tpu.dimension_semantics<arbitrary>], iteration_bounds = array<i64: 36>, scalar_prefetch = 0 : i64, scratch_operands = 0 : i64, tpu.core_type = #tpu.core_type<tc>, window_params = [{pipeline_mode = #tpu.pipeline_mode<synchronous>, transform_indices = @transform_0, window_bounds = array<i64: 3, 16>}, {transform_indices = @transform_1, window_bounds = array<i64: 192, 768>}, {transform_indices = @transform_2, window_bounds = array<i64: 192, 768>}]} {
    %get3A = arith.constant 0 : index
    %get3A_0 = arith.constant 0 : index
    %get3A_1 = vector.load %arg2[%get3A, %get3A_0] : memref<192x768xf32, #tpu.memory_space<vmem>>, vector<192x768xf32>
    %mul3A = arith.mulf %get3A_1, %get3A_1 : vector<192x768xf32>
    %reduce_sum3A = arith.constant dense<0.000000e+00> : vector<192xf32>
    %reduce_sum3A_2 = vector.multi_reduction <add>, %mul3A, %reduce_sum3A [1] : vector<192x768xf32> to vector<192xf32>
    %broadcast_in_dim3A = vector.shape_cast %reduce_sum3A_2 : vector<192xf32> to vector<192x1xf32>
    %div3A = arith.constant 7.680000e+02 : f32
    %div3A_3 = vector.broadcast %div3A : f32 to vector<192x1xf32>
    %div3A_4 = arith.divf %broadcast_in_dim3A, %div3A_3 : vector<192x1xf32>
    %sqrt3A = math.sqrt %div3A_4 : vector<192x1xf32>
    %add3A = arith.constant 9.99999993E-9 : f32
    %add3A_5 = vector.broadcast %add3A : f32 to vector<192x1xf32>
    %add3A_6 = arith.addf %sqrt3A, %add3A_5 : vector<192x1xf32>
    %abs3A = math.absf %get3A_1 : vector<192x768xf32>
    %div3A_7 = arith.constant 1.000000e+00 : f32
    %div3A_8 = vector.broadcast %div3A_7 : f32 to vector<192x1xf32>
    %div3A_9 = arith.divf %div3A_8, %add3A_6 : vector<192x1xf32>
    %mul3A_10 = vector.broadcast %div3A_9 : vector<192x1xf32> to vector<192x768xf32>
    %mul3A_11 = arith.mulf %abs3A, %mul3A_10 : vector<192x768xf32>
    %broadcast_in_dim3A_12 = arith.constant 0.000000e+00 : f32
    %broadcast_in_dim3A_13 = vector.broadcast %broadcast_in_dim3A_12 : f32 to vector<192x768xf32>
    %get3A_14 = arith.constant 0 : index
    %get3A_15 = arith.constant 9 : index
    %get3A_16 = vector.load %arg1[%get3A_14, %get3A_15] : memref<3x16xf32, #tpu.memory_space<vmem>>, vector<1x1xf32>
    %get3A_17 = vector.extract %get3A_16[0, 0] : f32 from vector<1x1xf32>
    %gt3A = vector.broadcast %get3A_17 : f32 to vector<192x768xf32>
    %gt3A_18 = arith.cmpf ogt, %mul3A_11, %gt3A : vector<192x768xf32>
    %get3A_19 = arith.constant 1 : index
    %get3A_20 = arith.constant 9 : index
    %get3A_21 = vector.load %arg1[%get3A_19, %get3A_20] : memref<3x16xf32, #tpu.memory_space<vmem>>, vector<1x1xf32>
    %get3A_22 = vector.extract %get3A_21[0, 0] : f32 from vector<1x1xf32>
    %jit3A = arith.constant 0.000000e+00 : f32
    %broadcast_in_dim3A_23 = vector.broadcast %get3A_22 : f32 to vector<192x768xf32>
    %broadcast_in_dim3A_24 = vector.broadcast %jit3A : f32 to vector<192x768xf32>
    %select_n3A = arith.select %gt3A_18, %broadcast_in_dim3A_23, %broadcast_in_dim3A_24 : vector<192x768xi1>, vector<192x768xf32>
    %add3A_25 = arith.addf %broadcast_in_dim3A_13, %select_n3A : vector<192x768xf32>
    %get3A_26 = arith.constant 0 : index
    %get3A_27 = arith.constant 10 : index
    %get3A_28 = vector.load %arg1[%get3A_26, %get3A_27] : memref<3x16xf32, #tpu.memory_space<vmem>>, vector<1x1xf32>
    %get3A_29 = vector.extract %get3A_28[0, 0] : f32 from vector<1x1xf32>
    %gt3A_30 = vector.broadcast %get3A_29 : f32 to vector<192x768xf32>
    %gt3A_31 = arith.cmpf ogt, %mul3A_11, %gt3A_30 : vector<192x768xf32>
    %get3A_32 = arith.constant 1 : index
    %get3A_33 = arith.constant 10 : index
    %get3A_34 = vector.load %arg1[%get3A_32, %get3A_33] : memref<3x16xf32, #tpu.memory_space<vmem>>, vector<1x1xf32>
    %get3A_35 = vector.extract %get3A_34[0, 0] : f32 from vector<1x1xf32>
    %jit3A_36 = arith.constant 0.000000e+00 : f32
    %broadcast_in_dim3A_37 = vector.broadcast %get3A_35 : f32 to vector<192x768xf32>
    %broadcast_in_dim3A_38 = vector.broadcast %jit3A_36 : f32 to vector<192x768xf32>
    %select_n3A_39 = arith.select %gt3A_31, %broadcast_in_dim3A_37, %broadcast_in_dim3A_38 : vector<192x768xi1>, vector<192x768xf32>
    %add3A_40 = arith.addf %add3A_25, %select_n3A_39 : vector<192x768xf32>
    %get3A_41 = arith.constant 0 : index
    %get3A_42 = arith.constant 11 : index
    %get3A_43 = vector.load %arg1[%get3A_41, %get3A_42] : memref<3x16xf32, #tpu.memory_space<vmem>>, vector<1x1xf32>
    %get3A_44 = vector.extract %get3A_43[0, 0] : f32 from vector<1x1xf32>
    %gt3A_45 = vector.broadcast %get3A_44 : f32 to vector<192x768xf32>
    %gt3A_46 = arith.cmpf ogt, %mul3A_11, %gt3A_45 : vector<192x768xf32>
    %get3A_47 = arith.constant 1 : index
    %get3A_48 = arith.constant 11 : index
    %get3A_49 = vector.load %arg1[%get3A_47, %get3A_48] : memref<3x16xf32, #tpu.memory_space<vmem>>, vector<1x1xf32>
    %get3A_50 = vector.extract %get3A_49[0, 0] : f32 from vector<1x1xf32>
    %jit3A_51 = arith.constant 0.000000e+00 : f32
    %broadcast_in_dim3A_52 = vector.broadcast %get3A_50 : f32 to vector<192x768xf32>
    %broadcast_in_dim3A_53 = vector.broadcast %jit3A_51 : f32 to vector<192x768xf32>
    %select_n3A_54 = arith.select %gt3A_46, %broadcast_in_dim3A_52, %broadcast_in_dim3A_53 : vector<192x768xi1>, vector<192x768xf32>
    %add3A_55 = arith.addf %add3A_40, %select_n3A_54 : vector<192x768xf32>
    %get3A_56 = arith.constant 0 : index
    %get3A_57 = arith.constant 12 : index
    %get3A_58 = vector.load %arg1[%get3A_56, %get3A_57] : memref<3x16xf32, #tpu.memory_space<vmem>>, vector<1x1xf32>
    %get3A_59 = vector.extract %get3A_58[0, 0] : f32 from vector<1x1xf32>
    %gt3A_60 = vector.broadcast %get3A_59 : f32 to vector<192x768xf32>
    %gt3A_61 = arith.cmpf ogt, %mul3A_11, %gt3A_60 : vector<192x768xf32>
    %get3A_62 = arith.constant 1 : index
    %get3A_63 = arith.constant 12 : index
    %get3A_64 = vector.load %arg1[%get3A_62, %get3A_63] : memref<3x16xf32, #tpu.memory_space<vmem>>, vector<1x1xf32>
    %get3A_65 = vector.extract %get3A_64[0, 0] : f32 from vector<1x1xf32>
    %jit3A_66 = arith.constant 0.000000e+00 : f32
    %broadcast_in_dim3A_67 = vector.broadcast %get3A_65 : f32 to vector<192x768xf32>
    %broadcast_in_dim3A_68 = vector.broadcast %jit3A_66 : f32 to vector<192x768xf32>
    %select_n3A_69 = arith.select %gt3A_61, %broadcast_in_dim3A_67, %broadcast_in_dim3A_68 : vector<192x768xi1>, vector<192x768xf32>
    %add3A_70 = arith.addf %add3A_55, %select_n3A_69 : vector<192x768xf32>
    %get3A_71 = arith.constant 0 : index
    %get3A_72 = arith.constant 13 : index
    %get3A_73 = vector.load %arg1[%get3A_71, %get3A_72] : memref<3x16xf32, #tpu.memory_space<vmem>>, vector<1x1xf32>
    %get3A_74 = vector.extract %get3A_73[0, 0] : f32 from vector<1x1xf32>
    %gt3A_75 = vector.broadcast %get3A_74 : f32 to vector<192x768xf32>
    %gt3A_76 = arith.cmpf ogt, %mul3A_11, %gt3A_75 : vector<192x768xf32>
    %get3A_77 = arith.constant 1 : index
    %get3A_78 = arith.constant 13 : index
    %get3A_79 = vector.load %arg1[%get3A_77, %get3A_78] : memref<3x16xf32, #tpu.memory_space<vmem>>, vector<1x1xf32>
    %get3A_80 = vector.extract %get3A_79[0, 0] : f32 from vector<1x1xf32>
    %jit3A_81 = arith.constant 0.000000e+00 : f32
    %broadcast_in_dim3A_82 = vector.broadcast %get3A_80 : f32 to vector<192x768xf32>
    %broadcast_in_dim3A_83 = vector.broadcast %jit3A_81 : f32 to vector<192x768xf32>
    %select_n3A_84 = arith.select %gt3A_76, %broadcast_in_dim3A_82, %broadcast_in_dim3A_83 : vector<192x768xi1>, vector<192x768xf32>
    %add3A_85 = arith.addf %add3A_70, %select_n3A_84 : vector<192x768xf32>
    %get3A_86 = arith.constant 0 : index
    %get3A_87 = arith.constant 14 : index
    %get3A_88 = vector.load %arg1[%get3A_86, %get3A_87] : memref<3x16xf32, #tpu.memory_space<vmem>>, vector<1x1xf32>
    %get3A_89 = vector.extract %get3A_88[0, 0] : f32 from vector<1x1xf32>
    %gt3A_90 = vector.broadcast %get3A_89 : f32 to vector<192x768xf32>
    %gt3A_91 = arith.cmpf ogt, %mul3A_11, %gt3A_90 : vector<192x768xf32>
    %get3A_92 = arith.constant 1 : index
    %get3A_93 = arith.constant 14 : index
    %get3A_94 = vector.load %arg1[%get3A_92, %get3A_93] : memref<3x16xf32, #tpu.memory_space<vmem>>, vector<1x1xf32>
    %get3A_95 = vector.extract %get3A_94[0, 0] : f32 from vector<1x1xf32>
    %jit3A_96 = arith.constant 0.000000e+00 : f32
    %broadcast_in_dim3A_97 = vector.broadcast %get3A_95 : f32 to vector<192x768xf32>
    %broadcast_in_dim3A_98 = vector.broadcast %jit3A_96 : f32 to vector<192x768xf32>
    %select_n3A_99 = arith.select %gt3A_91, %broadcast_in_dim3A_97, %broadcast_in_dim3A_98 : vector<192x768xi1>, vector<192x768xf32>
    %add3A_100 = arith.addf %add3A_85, %select_n3A_99 : vector<192x768xf32>
    %get3A_101 = arith.constant 0 : index
    %get3A_102 = arith.constant 15 : index
    %get3A_103 = vector.load %arg1[%get3A_101, %get3A_102] : memref<3x16xf32, #tpu.memory_space<vmem>>, vector<1x1xf32>
    %get3A_104 = vector.extract %get3A_103[0, 0] : f32 from vector<1x1xf32>
    %gt3A_105 = vector.broadcast %get3A_104 : f32 to vector<192x768xf32>
    %gt3A_106 = arith.cmpf ogt, %mul3A_11, %gt3A_105 : vector<192x768xf32>
    %get3A_107 = arith.constant 1 : index
    %get3A_108 = arith.constant 15 : index
    %get3A_109 = vector.load %arg1[%get3A_107, %get3A_108] : memref<3x16xf32, #tpu.memory_space<vmem>>, vector<1x1xf32>
    %get3A_110 = vector.extract %get3A_109[0, 0] : f32 from vector<1x1xf32>
    %jit3A_111 = arith.constant 0.000000e+00 : f32
    %broadcast_in_dim3A_112 = vector.broadcast %get3A_110 : f32 to vector<192x768xf32>
    %broadcast_in_dim3A_113 = vector.broadcast %jit3A_111 : f32 to vector<192x768xf32>
    %select_n3A_114 = arith.select %gt3A_106, %broadcast_in_dim3A_112, %broadcast_in_dim3A_113 : vector<192x768xi1>, vector<192x768xf32>
    %add3A_115 = arith.addf %add3A_100, %select_n3A_114 : vector<192x768xf32>
    %get3A_116 = arith.constant 1 : index
    %get3A_117 = arith.constant 8 : index
    %get3A_118 = vector.load %arg1[%get3A_116, %get3A_117] : memref<3x16xf32, #tpu.memory_space<vmem>>, vector<1x1xf32>
    %get3A_119 = vector.extract %get3A_118[0, 0] : f32 from vector<1x1xf32>
    %mul3A_120 = arith.constant 5.000000e-01 : f32
    %mul3A_121 = arith.mulf %mul3A_120, %get3A_119 : f32
    %add3A_122 = vector.broadcast %mul3A_121 : f32 to vector<192x768xf32>
    %add3A_123 = arith.addf %add3A_115, %add3A_122 : vector<192x768xf32>
    %lt3A = arith.constant 0.000000e+00 : f32
    %lt3A_124 = vector.broadcast %lt3A : f32 to vector<192x768xf32>
    %lt3A_125 = arith.cmpf olt, %get3A_1, %lt3A_124 : vector<192x768xf32>
    %neg3A = arith.constant 0.000000e+00 : f32
    %neg3A_126 = vector.broadcast %neg3A : f32 to vector<192x768xf32>
    %neg3A_127 = arith.subf %neg3A_126, %add3A_123 : vector<192x768xf32>
    %select_n3A_128 = arith.select %lt3A_125, %neg3A_127, %add3A_123 : vector<192x768xi1>, vector<192x768xf32>
    %mul3A_129 = vector.broadcast %add3A_6 : vector<192x1xf32> to vector<192x768xf32>
    %mul3A_130 = arith.mulf %select_n3A_128, %mul3A_129 : vector<192x768xf32>
    %swap3A = arith.constant 0 : index
    %swap3A_131 = arith.constant 0 : index
    %swap3A_132 = vector.load %arg3[%swap3A, %swap3A_131] : memref<192x768xf32, #tpu.memory_space<vmem>>, vector<192x768xf32>
    tpu.vector_store %arg3[%swap3A, %swap3A_131], %mul3A_130 {strides = array<i32>} : memref<192x768xf32, #tpu.memory_space<vmem>>, vector<192x768xf32>,
    return
  }
  func.func @transform_0(%arg0: i32) -> (i32, i32) {
    %c0_i32 = arith.constant 0 : i32
    %c0_i32_0 = arith.constant 0 : i32
    %c0_i32_1 = arith.constant 0 : i32
    return %c0_i32, %c0_i32_0 : i32, i32
  }
  func.func @transform_1(%arg0: i32) -> (i32, i32) {
    %add3A = arith.constant 12 : i32
    %add3A_0 = arith.addi %arg0, %add3A : i32
    %c0_i32 = arith.constant 0 : i32
    %c0_i32_1 = arith.constant 0 : i32
    return %add3A_0, %c0_i32 : i32, i32
  }
  func.func @transform_2(%arg0: i32) -> (i32, i32) {
    %add3A = arith.constant 12 : i32
    %add3A_0 = arith.addi %arg0, %add3A : i32
    %c0_i32 = arith.constant 0 : i32
    %c0_i32_1 = arith.constant 0 : i32
    return %add3A_0, %c0_i32 : i32, i32
  }
}

</mosaic_0001>

<sc_bundles>
// kernel: kernel.4.cloned.1.call-start
scs
__scs_entry_jumppad:
0x0: {  	(pc) =	sbr.rel $0x88, $3  }
0x1: {  	(tag) =	ssettag $0x0;
	lr =	simm.s32 $0x1  }
0x2: {  	[smem:$0x3F9F] =	sst lr;
	_ =	strace $0xD0000000  }
0x3: {  	_ = 	snop  }
0x4: {  	_ = 	snop  }
0x5: {  	_ = 	snop  }
0x6: {  	_ = 	snop  }
0x7: {  	_ = 	snop  }
__scs_overlays_trampoline_lowered:
0x8: {  	[smem:$0x3FAE] =	sst s0  }
0x9: {  	[smem:$0x3FAF] =	sst s1  }
0xa: {  	[smem:$0x3FB0] =	sst s2  }
0xb: {  	[smem:$0x3FB1] =	sst s3  }
0xc: {  	[smem:$0x3FB2] =	sst s4  }
0xd: {  	[smem:$0x3FB3] =	sst s5  }
0xe: {  	[smem:$0x3FB4] =	sst s6  }
0xf: {  	[smem:$0x3FB5] =	sst s7  }
0x10: {  	[smem:$0x3FB6] =	sst s8  }
0x11: {  	[smem:$0x3FB7] =	sst s9;
	s0 =	simm.s32 @!p0 $0x0  }
0x12: {  	s1 =	sld [smem:$0x3F9D];
	s0 =	simm.s32 @p0 $0x1  }
0x13: {  	[smem:$0x3FB8] =	sst s0;
	s0 =	simm.s32 @!p1 $0x0  }
0x14: {  	s2 =	sld [smem:$0x3F9C];
	s0 =	simm.s32 @p1 $0x1  }
0x15: {  	[smem:$0x3FB9] =	sst s0;
	s0 =	simm.s32 @!p2 $0x0  }
0x16: {  	s3 =	sld [smem:$0x3FDB];
	s0 =	simm.s32 @p2 $0x1  }
0x17: {  	s4 =	simm.s32 $0x1BF5;
	[smem:$0x3FBB] =	sst s0  }
0x18: {  	s0 =	sld [smem:$0x3F9E];
	_ =	swait.ge [sflag:s4], $0x0  }
0x19: {  	s7 =	sld [smem:$0x3F9F]  }
0x1a: {  	s8 =	sadd.s32 $0xFFFFE003, lr  }
0x1b: {  	s9 =	sadd.s32 $0xFFFFFEF7, lr;
	s5 =	simm.s32 $0xFFFFFFFF;
	p2 =	slt.u32 s8, $0xFFFFF086  }
0x1c: {  	p1 =	slt.u32 s9, $0xF7A;
	s5 =	simm.s32 @!p2 $0x0  }
0x1d: {  	s5 =	simm.s32 @p1 $0x1;
	p0 =	seq.s32 s7, s2  }
0x1e: {  	s7 =	smul.u32 @!p0 $0xF7A, s2;
	p2 =	seq.s32 @!p0 s5, $0x0  }
0x1f: {  	s9 =	smul.u32 $0xF7A, s1;
	s8 =	simm.s32 @!p0 $0x1BF5;
	p2 =	por !p2, p0  }
0x20: {  	[sflag:s8] =	ssyncset.s32 @!p0 $0xFFFFF086;
	s6 =	sadd.s32 @!p0 s3, s7;
	s7 =	simm.s32 @!p0 $0x108  }
0x21: {  	s3 =	sadd.s32 s3, s9;
	s6 =	sadd.s32 @!p0 $0x88, s6;
	s7 =	simm.s32 @p2 $0x1082  }
0x22: {  	[simem:s7], [sflag:s8] =	dma.local @!p0 [hbm:s6], $0xF7A  }
0x23: {  	s9 =	sor.u32 $0xD0000000, s2;
	s6 =	simm.s32 $0x108;
	_ =	swait.ge @!p0 [sflag:s8], $0x0  }
0x24: {  	s3 =	sadd.s32 $0x88, s3;
	s6 =	simm.s32 @!p1 $0x1082;
	[sflag:s4] =	ssyncset.s32 $0xFFFFF086  }
0x25: {  	[simem:s6], [sflag:s4] =	dma.local [hbm:s3], $0xF7A  }
0x26: {  	[smem:$0x3F9F] =	sst s1;
	(tag) =	ssettag s2;
	_ =	strace s9  }
0x27: {  	s1 =	sld [smem:$0x3FAF]  }
0x28: {  	s2 =	sld [smem:$0x3FB0]  }
0x29: {  	s4 =	sld [smem:$0x3FB2]  }
0x2a: {  	p0 =	seq.s32 s5, $0x0;
	s5 =	sld [smem:$0x3FB3]  }
0x2b: {  	s6 =	sld [smem:$0x3FB4]  }
0x2c: {  	s7 =	sld [smem:$0x3FB5]  }
0x2d: {  	s3 =	simm.s32 $0x108;
	s8 =	sld [smem:$0x3FB6]  }
0x2e: {  	s3 =	simm.s32 @!p0 $0x1082;
	s9 =	sld [smem:$0x3FB7]  }
0x2f: {  	lr =	sadd.s32 s0, s3;
	s0 =	sld [smem:$0x3FAE]  }
0x30: {  	s3 =	sld [smem:$0x3FB1]  }
0x31: {  	[smem:$0x3FBA] =	sst s10  }
0x32: {  	s10 =	sld [smem:$0x3FB8];
	_ =	sdelay $0x3  }
0x33: {  	p0 =	seq.s32 s10, $0x1;
	s10 =	sld [smem:$0x3FBA];
	_ =	sdelay $0x3  }
0x34: {  	[smem:$0x3FBA] =	sst s10  }
0x35: {  	s10 =	sld [smem:$0x3FB9];
	_ =	sdelay $0x3  }
0x36: {  	p1 =	seq.s32 s10, $0x1;
	s10 =	sld [smem:$0x3FBA];
	_ =	sdelay $0x3  }
0x37: {  	[smem:$0x3FBA] =	sst s10  }
0x38: {  	s10 =	sld [smem:$0x3FBB]  }
0x39: {  	_ = 	snop;
	(pc) =	sbr.ind lr, $3  }
0x3a: {  	_ = 	snop  }
0x3b: {  	_ = 	snop  }
0x3c: {  	p2 =	seq.s32 s10, $0x1;
	s10 =	sld [smem:$0x3FBA]  }
0x3d: {  	_ =	shalt  }
0x3e: {  	_ =	shalt  }
0x3f: {  	_ =	shalt  }
0x40: {  	_ =	shalt  }
0x41: {  	_ =	shalt  }
0x42: {  	_ =	shalt  }
0x43: {  	_ =	shalt  }
0x44: {  	_ =	shalt  }
0x45: {  	_ =	shalt  }
0x46: {  	_ =	shalt  }
0x47: {  	_ =	shalt  }
0x48: {  	_ =	shalt  }
0x49: {  	_ =	shalt  }
0x4a: {  	_ =	shalt  }
0x4b: {  	_ =	shalt  }
0x4c: {  	_ =	shalt  }
0x4d: {  	_ =	shalt  }
0x4e: {  	_ =	shalt  }
0x4f: {  	_ =	shalt  }
0x50: {  	_ =	shalt  }
0x51: {  	_ =	shalt  }
0x52: {  	_ =	shalt  }
0x53: {  	_ =	shalt  }
0x54: {  	_ =	shalt  }
0x55: {  	_ =	shalt  }
0x56: {  	_ =	shalt  }
0x57: {  	_ =	shalt  }
0x58: {  	_ =	shalt  }
0x59: {  	_ =	shalt  }
0x5a: {  	_ =	shalt  }
0x5b: {  	_ =	shalt  }
0x5c: {  	_ =	shalt  }
0x5d: {  	_ =	shalt  }
0x5e: {  	_ =	shalt  }
0x5f: {  	_ =	shalt  }
0x60: {  	_ =	shalt  }
0x61: {  	_ =	shalt  }
0x62: {  	_ =	shalt  }
0x63: {  	_ =	shalt  }
0x64: {  	_ =	shalt  }
0x65: {  	_ =	shalt  }
0x66: {  	_ =	shalt  }
0x67: {  	_ =	shalt  }
0x68: {  	_ =	shalt  }
0x69: {  	_ =	shalt  }
0x6a: {  	_ =	shalt  }
0x6b: {  	_ =	shalt  }
0x6c: {  	_ =	shalt  }
0x6d: {  	_ =	shalt  }
0x6e: {  	_ =	shalt  }
0x6f: {  	_ =	shalt  }
0x70: {  	_ =	shalt  }
0x71: {  	_ =	shalt  }
0x72: {  	_ =	shalt  }
0x73: {  	_ =	shalt  }
0x74: {  	_ =	shalt  }
0x75: {  	_ =	shalt  }
0x76: {  	_ =	shalt  }
0x77: {  	_ =	shalt  }
0x78: {  	_ =	shalt  }
0x79: {  	_ =	shalt  }
0x7a: {  	_ =	shalt  }
0x7b: {  	_ =	shalt  }
0x7c: {  	_ =	shalt  }
0x7d: {  	_ =	shalt  }
0x7e: {  	_ =	shalt  }
0x7f: {  	_ =	shalt  }
0x80: {  	_ =	shalt  }
0x81: {  	_ =	shalt  }
0x82: {  	_ =	shalt  }
0x83: {  	_ =	shalt  }
0x84: {  	_ =	shalt  }
0x85: {  	_ =	shalt  }
0x86: {  	_ =	shalt  }
0x87: {  	_ =	shalt  }
.Lfunc_end0:
.L_simem_size_0:
called_computation_lowered:
.L_overlay_start_0:
0x88: {  	s2 =	sld [smem:$0x3FD9]  }
0x89: {  	s3 =	sld [smem:$0x3FFE];
	_ =	sdelay $0x1  }
0x8a: {  	s1 =	srdreg.scid  }
0x8b: {  	s0 =	sand.u32 $0x1, s1  }
0x8c: {  	s16 =	sshll.u32 s0, $0xA;
	s2 =	sadd.s32 s3, s2  }
0x8d: {  	s2 =	sadd.s32 s2, s16  }
0x8e: {  	[smem:$0x3FC6] =	sst s2  }
0x8f: {  	_ = 	snop  }
0x90: {  	(tm) =	ssettm $0x1  }
0x91: {  	s17 =	sld [smem:$0x3FFB];
	_ =	sdelay $0x3  }
0x92: {  	_ =	strace s17  }
0x93: {  	s2 =	sld [smem:$0x3FFC];
	_ =	sdelay $0x3  }
0x94: {  	_ =	strace s2  }
0x95: {  	s2 =	sld [smem:$0x3FFD];
	_ =	sdelay $0x3  }
0x96: {  	_ =	strace s2  }
0x97: {  	_ =	strace $0x8FFFFFFF  }
0x98: {  	s18 =	sld [smem:$0x3FDB];
	_ =	sdelay $0x1  }
0x99: {  	s19 =	simm.s32 $_scs_section_size  }
0x9a: {  	s4 =	simm.s32 $_size__tile_overlayer_lowered;
	s5 =	simm.s32 $_tile_overlayer_lowered  }
0x9b: {  	s22 =	simm.s32 $0x1BFF;
	s21 =	sshll.u32 s5, $0x1;
	s2 =	sadd.s32 s19, s18  }
0x9c: {  	s6 =	simm.s32 $0x0;
	s20 =	sshll.u32 s4, $0x1;
	s4 =	sadd.s32 s21, s2  }
0x9d: {  	[timem:s6], [sflag:s22] =	dma.local [hbm:s4], s20  }
0x9e: {  	_ =	swait.ge [sflag:s22], s20  }
0x9f: {  	s3 =	ssub.s32 $0x0, s20;
	[sflag:s22] =	ssyncset.done $0x0  }
0xa0: {  	[sflag:s22] =	ssyncadd.s32 s3;
	_ =	sdelay $0x1  }
0xa1: {  	s23 =	simm.s32 $0x1B8B  }
0xa2: {  	_ =	swait.ge [sflag:s23], $0x1  }
0xa3: {  	[sflag:s23] =	ssyncset.done $0x0  }
0xa4: {  	s25 =	simm.s32 $0x1B8E;
	s24 =	sld [smem:$0x3FFE];
	[sflag:s23] =	ssyncadd.s32 $0xFFFFFFFF  }
0xa5: {  	s26 =	simm.s32 $execute0_lowered;
	[smem:$0x3FD2] =	sst s25  }
0xa6: {  	s4 =	sshll.u32 s26, $0x1;
	_ =	strace $0x80000046;
	[dreg:$0x1] =	wrdreg $0xFFFFFFFF  }
0xa7: {  	s28 =	simm.s32 $_size_execute0_lowered;
	s2 =	sadd.s32 s2, s4;
	[dreg:$0x0] =	wrdreg $0x0  }
0xa8: {  	s4 =	sshll.u32 s28, $0x1;
	[dreg:$0x2] =	wrdreg s2  }
0xa9: {  	[dreg:$0x3] =	wrdreg s4  }
0xaa: {  	[dreg:$0x4] =	wrdreg $0xC0  }
0xab: {  	_ =	task [dreg:s6], $0x5FFFF  }
0xac: {  	[dreg:$0x1] =	wrdreg $0xFFFFFFFF  }
0xad: {  	[dreg:$0x0] =	wrdreg $0x60  }
0xae: {  	[dreg:$0x2] =	wrdreg s24  }
0xaf: {  	[dreg:$0x3] =	wrdreg $0x9  }
0xb0: {  	_ =	task.clear_ibuf [dreg:s6], $0x4FFFF;
	_ =	strace $0x90000046  }
0xb1: {  	s29 =	simm.s32 $0x9;
	_ =	strace $0x80000048  }
0xb2: {  	_ =	swait.ge [sflag:s29], $0x1  }
0xb3: {  	[sflag:s29] =	ssyncadd.s32 $0xFFFFFFFF  }
0xb4: {  	_ =	strace $0x90000048  }
0xb5: {  	_ =	sfence  }
0xb6: {  	s30 =	sld [smem:$0x0];
	_ =	sdelay $0x2  }
0xb7: {  	s31 =	sshll.u32 s1, $0xD;
	s1 =	sshrl.u32 s1, $0x2  }
0xb8: {  	s3 =	sand.u32 $0x4000, s31;
	s1 =	sadd.s32 s1, s30  }
0xb9: {  	s0 =	sor.u32 s3, s0;
	s1 =	sshll.u32 s1, $0x11  }
0xba: {  	s0 =	sor.u32 s1, s0  }
0xbb: {  	s0 =	sadd.s32 $0x8F2B, s0  }
0xbc: {  	[sflag:s0] =	ssyncadd.remote.s32 $0x1  }
0xbd: {  	_ =	sfence.sel $0xFFFF  }
0xbe: {  	[dreg:$0x0] =	wrdreg $0xFFFFFFFF;
	(pc) =	sbr.abs _section_cstart, $3  }
0xbf: {  	[dreg:$0x1] =	wrdreg $0xFFFFFFFF  }
0xc0: {  	_ =	task.clear_ibuf [dreg:s6], $0x2FFFF;
	_ =	strace $0x9FFFFFFF  }
0xc1: {  	(tm) =	ssettm $0x7FFFFFFF  }
tec
execute0_lowered:
.L_overlay_start_1:
0x0: {  	(tag) =	ssettag $0x1  }
0x1: {  	s0 =	srdreg.scid  }
0x2: {  	s1 =	stileid.u32;
	s7 =	rddreg [dreg:$0x0]  }
0x3: {  	s3 =	simm.s32 $0x0;
	s14 =	simm.s32 $0x6000;
	s15 =	simm.s32 $0x5  }
0x4: {  	s16 =	simm.s32 $0xA000;
	s18 =	simm.s32 $0x1800;
	s19 =	simm.s32 $0x1  }
0x5: {  	s20 =	simm.s32 $0x3000;
	s21 =	simm.s32 $0x2;
	s22 =	simm.s32 $0x4800  }
0x6: {  	s23 =	simm.s32 $0x3;
	s0 =	sand.u32 $0x1, s0;
	s1 =	sshll.u32 s1, $0x1  }
0x7: {  	s24 =	simm.s32 $0x4;
	s25 =	simm.s32 $0x0;
	s1 =	sor.u32 s0, s1  }
0x8: {  	[smem:$0x7FF] =	sst s3;
	s5 =	sadd.s32 $0xC00, s7;
	s4 =	smul.u32 $0x48, s1  }
0x9: {  	s2 =	sadd.s32 $0x400, s7;
	s8 =	sadd.s32 $0x36C00, s7;
	_ =	strace $0x80000047  }
0xa: {  	s0 =	ssub.s32 $0x2, s0;
	[dreg:$0x2] =	wrdreg s2;
	s1 =	sshrl.u32 s4, $0x3  }
0xb: {  	[dreg:$0x3] =	wrdreg s8;
	s29 =	sshrl.u32 s0, $0x1;
	s6 =	smul.u32 $0x300, s1  }
0xc: {  	s8 =	sadd.s32 $0x36E00, s7;
	s0 =	ssub.s32 s0, s29;
	s10 =	sadd.s32 $0x8, s4  }
0xd: {  	s13 =	smax.u32 s0, $0x1;
	s30 =	sadd.s32 s5, s6;
	s31 =	sadd.s32 s8, s6  }
0xe: {  	v0 =	vimm.s32 $0x0;
	s11 =	sadd.s32 $0x2, s1;
	[dreg:$0x4] =	wrdreg s30;
	s12 =	sadd.s32 $0x1800, s31  }
.LBB2_1:
0xf: {  	s0 =	rddreg [dreg:$0x2]  }
0x10: {  	[tilespmem:s14], [sflag:$0x5] =	stream.linear.gather [hbm4b:s0+s3], $0x4000, $0x38;
	[tilespmem:$0xC880] =	vst v63  }
0x11: {  	_ =	swait.ge [sflag:s15], $0x4000  }
0x12: {  	[sflag:s15] =	ssyncset.done $0x0  }
0x13: {  	[sflag:s15] =	ssyncadd.s32 $0xFFFFC000  }
0x14: {  	s29 =	rddreg [dreg:$0x0]  }
0x15: {  	[tilespmem:s16], [sflag:$0x5] =	stream.linear.gather [hbm4b:s29+s3], $0x2000, $0x38;
	[tilespmem:$0xC880] =	vst v63  }
0x16: {  	_ =	swait.ge [sflag:s15], $0x2000  }
0x17: {  	[sflag:s15] =	ssyncset.done $0x0  }
0x18: {  	s1 =	simm.s32 $0xC000;
	s30 =	rddreg [dreg:$0x3];
	[sflag:s15] =	ssyncadd.s32 $0xFFFFE000  }
0x19: {  	[tilespmem:s1], [sflag:$0x5] =	stream.linear.gather [hbm4b:s30+s3], $0x80, $0x38;
	[tilespmem:$0xC880] =	vst v63  }
0x1a: {  	_ =	swait.ge [sflag:s15], $0x80  }
0x1b: {  	[sflag:s15] =	ssyncset.done $0x0  }
0x1c: {  	[sflag:s15] =	ssyncadd.s32 $0xFFFFFF80  }
0x1d: {  	v1 =	vld [tilespmem:$0xC000];
	_ =	sdelay $0x3  }
0x1e: {  	s26 =	simm.s32 $0x0;
	s31 =	rddreg [dreg:$0x4]  }
0x1f: {  	[tilespmem:s3], [sflag:$0x1] =	stream.linear.gather [hbm4b:s31+s3], $0x1800, $0x38;
	v2 =	vbroadcast v1, $0x0;
	v1 =	vbroadcast v1, $0x1;
	[tilespmem:$0xC880] =	vst v63  }
.LBB2_2:
0x20: {  	s0 =	sshll.u32 s26, $0x4  }
0x21: {  	s1 =	sadd.s32 s0, s10  }
0x22: {  	s1 =	sshrl.u32 s1, $0x3  }
0x23: {  	s28 =	smul.u32 $0x300, s1;
	_ =	sdelay $0x1  }
0x24: {  	s1 =	sadd.s32 s5, s28  }
0x25: {  	[tilespmem:s18], [sflag:$0x2] =	stream.linear.gather [hbm4b:s1+s3], $0x1800, $0x38;
	[tilespmem:$0xC880] =	vst v63  }
0x26: {  	_ =	swait.ge [sflag:s19], $0x1800  }
0x27: {  	p0 =	seq.s32 s26, $0x0;
	[sflag:s19] =	ssyncset.done $0x0  }
0x28: {  	s1 =	simm.s32 @!p0 $0x3;
	[sflag:s19] =	ssyncadd.s32 $0xFFFFE800  }
0x29: {  	_ =	swait.ge @!p0 [sflag:s1], $0x1800  }
0x2a: {  	s29 =	sshll.u32 s26, $0x1;
	s30 =	sadd.s32 s4, s0;
	[sflag:s1] =	ssyncset.done @!p0 $0x0  }
0x2b: {  	s0 =	simm.s32 $0x0;
	[sflag:s1] =	ssyncadd.s32 @!p0 $0xFFFFE800;
	s1 =	simm.s32 $0x40  }
.LBB2_3:
0x2c: {  	v3 =	vld [tilespmem:s1+$0x0]  }
0x2d: {  	v4 =	vld [tilespmem:s1+$0x10]  }
0x2e: {  	v5 =	vld [tilespmem:s1+$0xFFFFFFC0]  }
0x2f: {  	v6 =	vld [tilespmem:s1+$0xFFFFFFD0]  }
0x30: {  	v7 =	vld [tilespmem:s1+$0xFFFFFFE0]  }
0x31: {  	v11 =	vld [tilespmem:s1+$0xFFFFFFF0]  }
0x32: {  	v9 =	vimm.f32 $0.0e+00;
	v10 =	vld [tilespmem:s1+$0x20]  }
0x33: {  	s2 =	simm.s32 $0x0;
	v8 =	vld [tilespmem:s1+$0x30];
	s6 =	sadd.s32 $0x400, s1;
	v14 =	vimm.f32 $0.0e+00;
	v12 =	vimm.f32 $0.0e+00;
	v13 =	vimm.f32 $0.0e+00  }
.LBB2_4:
0x34: {  	v15 =	vmul.f32 v3, v3;
	v3 =	vld [tilespmem:s6+$0x0];
	v16 =	vmul.f32 v4, v4  }
0x35: {  	v17 =	vmul.f32 v5, v5;
	v18 =	vmul.f32 v6, v6;
	s2 =	sadd.s32 $0x8, s2;
	v4 =	vld [tilespmem:s6+$0x10]  }
0x36: {  	v19 =	vmul.f32 v7, v7;
	p1 =	slt.u32 s2, $0x28;
	v5 =	vld [tilespmem:s6+$0xFFFFFFC0];
	v11 =	vmul.f32 v11, v11  }
.Ltmp0:
0x37: {  	v9 =	vadd.f32 v17, v9;
	v14 =	vadd.f32 v18, v14;
	v6 =	vld [tilespmem:s6+$0xFFFFFFD0];
	v17 =	vmul.f32 v10, v10;
	(pc) =	sbr.rel @p1 .LBB2_4-.Ltmp0, $4  }
0x38: {  	v12 =	vadd.f32 v19, v12;
	v7 =	vld [tilespmem:s6+$0xFFFFFFE0];
	v13 =	vadd.f32 v11, v13;
	v8 =	vmul.f32 v8, v8  }
0x39: {  	v9 =	vadd.f32 v15, v9;
	v14 =	vadd.f32 v16, v14;
	v11 =	vld [tilespmem:s6+$0xFFFFFFF0]  }
0x3a: {  	v12 =	vadd.f32 v17, v12;
	v10 =	vld [tilespmem:s6+$0x20];
	v13 =	vadd.f32 v8, v13  }
0x3b: {  	v8 =	vld [tilespmem:s6+$0x30];
	s6 =	sadd.s32 $0x400, s6  }
0x3c: {  	v3 =	vmul.f32 v3, v3;
	v4 =	vmul.f32 v4, v4  }
0x3d: {  	v5 =	vmul.f32 v5, v5;
	v6 =	vmul.f32 v6, v6  }
0x3e: {  	v7 =	vmul.f32 v7, v7;
	v11 =	vmul.f32 v11, v11  }
0x3f: {  	v5 =	vadd.f32 v5, v9;
	v6 =	vadd.f32 v6, v14;
	v55 =	vmul.f32 v10, v10  }
0x40: {  	v7 =	vadd.f32 v7, v12;
	v56 =	vadd.f32 v11, v13;
	v8 =	vmul.f32 v8, v8  }
0x41: {  	v3 =	vadd.f32 v3, v5;
	v4 =	vadd.f32 v4, v6  }
0x42: {  	v57 =	vadd.f32 v55, v7;
	v58 =	vadd.f32 v8, v56;
	_ =	sdelay $0x1  }
0x43: {  	v3 =	vadd.f32 v4, v3;
	v59 =	vadd.f32 v58, v57;
	_ =	sdelay $0x1  }
0x44: {  	v3 =	vadd.f32 v59, v3;
	_ =	sdelay $0x1  }
0x45: {  	(xrf2) =	vadd.scan.msk.f32 $0xffff, v3;
	_ =	sdelay $0x9  }
0x46: {  	v3, _, _ =	vpop (xrf2)  }
0x47: {  	(v2sf) =	vpush v3, $0xF;
	_ =	sdelay $0xe  }
0x48: {  	s2 =	spop (v2sf)  }
0x49: {  	s2 =	smul.f32 $1.302083370e-03, s2;
	_ =	sdelay $0x1  }
0x4a: {  	v3 =	vmov s2  }
0x4b: {  	v3 =	vshra.s32 v3, $0x1  }
0x4c: {  	v3 =	vadd.s32 $0x1FBD1DF6, v3  }
0x4d: {  	(erf) = vrcp.f32 v3;
	_ =	sdelay $0x8  }
0x4e: {  	v60 =	vpop (erf)  }
0x4f: {  	v4 =	vmul.f32 s2, v60;
	_ =	sdelay $0x1  }
0x50: {  	v3 =	vadd.f32 v3, v4;
	_ =	sdelay $0x1  }
0x51: {  	v3 =	vmul.f32 $5.000000000e-01, v3;
	_ =	sdelay $0x1  }
0x52: {  	(erf) = vrcp.f32 v3;
	_ =	sdelay $0x8  }
0x53: {  	v61 =	vpop (erf)  }
0x54: {  	v4 =	vmul.f32 s2, v61;
	_ =	sdelay $0x1  }
0x55: {  	v3 =	vadd.f32 v4, v3;
	_ =	sdelay $0x1  }
0x56: {  	v3 =	vmul.f32 $5.000000000e-01, v3;
	_ =	sdelay $0x1  }
0x57: {  	(erf) = vrcp.f32 v3;
	_ =	sdelay $0x8  }
0x58: {  	v62 =	vpop (erf)  }
0x59: {  	v4 =	vmul.f32 s2, v62;
	_ =	sdelay $0x1  }
0x5a: {  	v3 =	vadd.f32 v4, v3;
	_ =	sdelay $0x1  }
0x5b: {  	v3 =	vmul.f32 $5.000000000e-01, v3;
	_ =	sdelay $0x1  }
0x5c: {  	v3 =	vadd.f32 $9.999999930e-09, v3;
	_ =	sdelay $0x1  }
0x5d: {  	(erf) = vrcp.f32 v3;
	_ =	sdelay $0x5  }
0x5e: {  	s31 =	sshll.u32 s0, $0x7;
	s0 =	sadd.s32 $0x1, s0  }
0x5f: {  	p1 =	sne.s32 s0, $0x8  }
.Ltmp1:
0x60: {  	_ = 	snop;
	(pc) =	sbr.rel @p1 .LBB2_3-.Ltmp1, $4  }
0x61: {  	v63 =	vpop (erf)  }
0x62: {  	v4 =	vmul.f32 v63, v2  }
0x63: {  	[tilespmem:s31+$0xC480] =	vst v3  }
0x64: {  	s1 =	sadd.s32 $0x80, s1;
	[tilespmem:s31+$0xC080] =	vst v4  }
0x65: {  	s31 =	simm.s32 $0x0;
	s1 =	simm.s32 $0x40;
	s6 =	simm.s32 $0x3040  }
.LBB2_7:
0x66: {  	v3 =	vld [tilespmem:s1+$0xFFFFFFD0]  }
0x67: {  	v5 =	vld [tilespmem:s1+$0x30]  }
0x68: {  	v6 =	vld [tilespmem:s1+$0xFFFFFFE0]  }
0x69: {  	v7 =	vld [tilespmem:s1+$0xFFFFFFF0]  }
0x6a: {  	s2 =	sshll.u32 s31, $0x7;
	v8 =	vld [tilespmem:s1+$0x10]  }
0x6b: {  	v4 =	vld [tilespmem:s2+$0xC080]  }
0x6c: {  	v9 =	vld [tilespmem:s1+$0x20]  }
0x6d: {  	v10 =	vld [tilespmem:s1+$0x0]  }
0x6e: {  	v11 =	vld [tilespmem:s1+$0xFFFFFFC0];
	s0 =	sadd.s32 $0x400, s1  }
0x6f: {  	v19 =	vld [tilespmem:s0+$0xFFFFFFE0]  }
0x70: {  	v26 =	vld [tilespmem:s0+$0xFFFFFFD0];
	v3 =	vmul.f32 v3, v4  }
0x71: {  	v6 =	vmul.f32 v6, v4;
	v5 =	vmul.f32 v5, v4  }
0x72: {  	v7 =	vmul.f32 v7, v4;
	v8 =	vmul.f32 v8, v4  }
0x73: {  	v9 =	vmul.f32 v9, v4;
	v10 =	vmul.f32 v10, v4  }
0x74: {  	v11 =	vmul.f32 v11, v4;
	v19 =	vmul.f32 v19, v4;
	v3 =	vadd.f32 v3, v1  }
0x75: {  	v26 =	vmul.f32 v26, v4;
	v6 =	vadd.f32 v6, v1;
	v7 =	vadd.f32 v7, v1  }
0x76: {  	v15 =	vadd.f32 v8, v1;
	v16 =	vadd.f32 v5, v1;
	v12 =	vtrunc.f32 v3  }
0x77: {  	v8 =	vld [tilespmem:s0+$0x30];
	v10 =	vadd.f32 v10, v1;
	v14 =	vtrunc.f32 v6;
	v5 =	vtrunc.f32 v7  }
0x78: {  	v20 =	vadd.f32 v9, v1;
	v9 =	vld [tilespmem:s0+$0xFFFFFFF0];
	v18 =	vtrunc.f32 v15;
	v12 =	vcvt.f32.s32 v12  }
0x79: {  	v24 =	vadd.f32 v11, v1;
	v14 =	vcvt.f32.s32 v14;
	v21 =	vcvt.f32.s32 v5;
	v5 =	vld [tilespmem:s0+$0x20]  }
0x7a: {  	v13 =	vld [tilespmem:s0+$0x0];
	v22 =	vtrunc.f32 v10;
	v11 =	vtrunc.f32 v16  }
0x7b: {  	v23 =	vtrunc.f32 v24;
	v11 =	vcvt.f32.s32 v11  }
0x7c: {  	v17 =	vld [tilespmem:s0+$0x10];
	v27 =	vtrunc.f32 v20;
	v22 =	vcvt.f32.s32 v22  }
0x7d: {  	v28 =	vcvt.f32.s32 v23;
	v8 =	vmul.f32 v8, v4  }
0x7e: {  	v9 =	vmul.f32 v9, v4;
	v30 =	vmul.f32 v5, v4;
	v25 =	vld.idx.msk [tilespmem:v12+s16+$0x0], $0xffff  }
0x7f: {  	v23 =	vadd.f32 v8, v1;
	v5 =	vmul.f32 v13, v4;
	v13 =	vcvt.f32.s32 v27;
	v8 =	vld.idx.msk [tilespmem:v14+s16+$0x0], $0xffff  }
0x80: {  	v18 =	vcvt.f32.s32 v18;
	v29 =	vshll.u32 v14, $0x1;
	v32 =	vadd.f32 v9, v1;
	v14 =	vld.idx.msk [tilespmem:v21+s16+$0x0], $0xffff  }
0x81: {  	v17 =	vmul.f32 v17, v4;
	v19 =	vadd.f32 v19, v1;
	v26 =	vadd.f32 v26, v1;
	v31 =	vld.idx.msk [tilespmem:v11+s16+$0x0], $0xffff  }
0x82: {  	v27 =	vshll.u32 v22, $0x1;
	v12 =	vshll.u32 v12, $0x1;
	v9 =	vtrunc.f32 v32;
	v22 =	vld.idx.msk [tilespmem:v22+s16+$0x0], $0xffff  }
0x83: {  	v11 =	vshll.u32 v11, $0x1;
	v5 =	vadd.f32 v5, v1;
	vm1 =	vgt.f32 v3, v25;
	v3 =	vld [tilespmem:s2+$0xC480]  }
0x84: {  	v33 =	vshll.u32 v13, $0x1;
	v9 =	vcvt.f32.s32 v9;
	v25 =	vshll.u32 v28, $0x1;
	v28 =	vld.idx.msk [tilespmem:v28+s16+$0x0], $0xffff  }
0x85: {  	vm2 =	vgt.f32 v6, v8;
	v6 =	vtrunc.f32 v19;
	v8 =	vadd.f32 v17, v1;
	v13 =	vld.idx.msk [tilespmem:v13+s16+$0x0], $0xffff  }
0x86: {  	vm0 =	vgt.f32 v7, v14;
	v7 =	vtrunc.f32 v26;
	v17 =	vld.idx.msk [tilespmem:v18+s16+$0x0], $0xffff;
	v14 =	vsel vm1, $0x1, v0  }
0x87: {  	v34 =	vcvt.f32.s32 v7;
	v35 =	vcvt.f32.s32 v6;
	vm1 =	vgt.f32 v16, v31;
	v16 =	vld [tilespmem:s0+$0xFFFFFFC0];
	s0 =	sadd.s32 $0x400, s0  }
0x88: {  	v6 =	vadd.f32 v30, v1;
	v30 =	vsel vm1, $0x1, v0;
	v31 =	vld [tilespmem:s0+$0x0];
	v36 =	vtrunc.f32 v8  }
0x89: {  	v37 =	vld [tilespmem:s0+$0xFFFFFFD0];
	v12 =	vor.u32 v14, v12;
	vm1 =	vgt.f32 v10, v22;
	v10 =	vshll.u32 v21, $0x1  }
0x8a: {  	v14 =	vld [tilespmem:s0+$0x10];
	v7 =	vshll.u32 v35, $0x1;
	v30 =	vor.u32 v30, v11;
	v11 =	vcvt.f32.s32 v36  }
0x8b: {  	v57 =	vld [tilespmem:s0+$0x20];
	v39 =	vtrunc.f32 v6;
	vm3 =	vgt.f32 v20, v13;
	vm4 =	vgt.f32 v24, v28  }
0x8c: {  	v13 =	vld [tilespmem:s0+$0x30];
	v20 =	vsel vm2, $0x1, v0;
	vm2 =	vgt.f32 v15, v17;
	v15 =	vshll.u32 v18, $0x1  }
0x8d: {  	v22 =	vld [tilespmem:s0+$0xFFFFFFE0];
	v28 =	vtrunc.f32 v5;
	v21 =	vsel vm4, $0x1, v0;
	v16 =	vmul.f32 v16, v4  }
0x8e: {  	v18 =	vld [tilespmem:s0+$0xFFFFFFF0];
	v24 =	vsel vm2, $0x1, v0;
	v20 =	vor.u32 v20, v29;
	v29 =	vsel vm0, $0x1, v0  }
0x8f: {  	v59 =	vcvt.f32.s32 v28;
	v28 =	vshll.u32 v34, $0x1;
	v21 =	vor.u32 v21, v25;
	v25 =	vld.idx.msk [tilespmem:v34+s16+$0x0], $0xffff  }
0x90: {  	v12 =	vld.idx.msk [tilespmem:v12+s14+$0x0], $0xffff;
	v58 =	vmul.f32 v57, v4;
	v17 =	vadd.f32 v16, v1;
	v16 =	vtrunc.f32 v23  }
0x91: {  	v29 =	vor.u32 v29, v10;
	v35 =	vld.idx.msk [tilespmem:v35+s16+$0x0], $0xffff;
	v38 =	vcvt.f32.s32 v16;
	v10 =	vmul.f32 v13, v4  }
0x92: {  	v13 =	vor.u32 v24, v15;
	v15 =	vld.idx.msk [tilespmem:v30+s14+$0x0], $0xffff;
	v16 =	vtrunc.f32 v17;
	v24 =	vsel vm1, $0x1, v0  }
0x93: {  	v30 =	vsel vm3, $0x1, v0;
	v18 =	vmul.f32 v18, v4;
	v24 =	vor.u32 v24, v27;
	v42 =	vld.idx.msk [tilespmem:v20+s14+$0x0], $0xffff  }
0x94: {  	v27 =	vmul.f32 v14, v4;
	v40 =	vcvt.f32.s32 v16;
	v30 =	vor.u32 v30, v33;
	v20 =	vld.idx.msk [tilespmem:v9+s16+$0x0], $0xffff  }
0x95: {  	v16 =	vmul.f32 v31, v4;
	v33 =	vld.idx.msk [tilespmem:v11+s16+$0x0], $0xffff;
	vm2 =	vgt.f32 v26, v25;
	v26 =	vmul.f32 v37, v4  }
0x96: {  	v31 =	vcvt.f32.s32 v39;
	v14 =	vshll.u32 v59, $0x1;
	v36 =	vshll.u32 v38, $0x1;
	v41 =	vld.idx.msk [tilespmem:v21+s14+$0x0], $0xffff  }
0x97: {  	v10 =	vadd.f32 v10, v1;
	vm1 =	vgt.f32 v19, v35;
	v19 =	vadd.f32 v26, v1;
	v26 =	vld.idx.msk [tilespmem:v29+s14+$0x0], $0xffff  }
0x98: {  	v21 =	vshll.u32 v40, $0x1;
	v16 =	vadd.f32 v16, v1;
	v60 =	vld.idx.msk [tilespmem:v13+s14+$0x0], $0xffff;
	v43 =	vmul.f32 v15, v3  }
0x99: {  	v13 =	vmul.f32 v22, v4;
	v44 =	vld.idx.msk [tilespmem:v38+s16+$0x0], $0xffff;
	v22 =	vmul.f32 v12, v3;
	v12 =	vadd.f32 v18, v1  }
0x9a: {  	v30 =	vld.idx.msk [tilespmem:v30+s14+$0x0], $0xffff;
	vm0 =	vgt.f32 v32, v20;
	v20 =	vadd.f32 v27, v1;
	v18 =	vtrunc.f32 v19  }
0x9b: {  	v32 =	vld.idx.msk [tilespmem:v59+s16+$0x0], $0xffff;
	v27 =	vmul.f32 v42, v3;
	v13 =	vadd.f32 v13, v1;
	v61 =	vtrunc.f32 v12  }
0x9c: {  	v34 =	vsel vm2, $0x1, v0;
	v25 =	vld.idx.msk [tilespmem:v40+s16+$0x0], $0xffff;
	v62 =	vmul.f32 v41, v3;
	[tilespmem:s6+$0x30] =	vst v43;
	v18 =	vcvt.f32.s32 v18  }
0x9d: {  	v15 =	vshll.u32 v31, $0x1;
	v29 =	vld.idx.msk [tilespmem:v31+s16+$0x0], $0xffff;
	[tilespmem:s6+$0xFFFFFFD0] =	vst v22;
	v63 =	vtrunc.f32 v13;
	v39 =	vmul.f32 v60, v3  }
0x9e: {  	s17 =	sadd.s32 $0x400, s6;
	s7 =	simm.s32 $0x10;
	v22 =	vadd.f32 v58, v1;
	v31 =	vld.idx.msk [tilespmem:v24+s14+$0x0], $0xffff;
	[tilespmem:s6+$0xFFFFFFC0] =	vst v62;
	v24 =	vcvt.f32.s32 v63;
	vm2 =	vgt.f32 v23, v44  }
0x9f: {  	s2 =	smov.u32 s17;
	s9 =	sadd.s32 $0x400, s0;
	v35 =	vld [tilespmem:s0+$0xFFFFFFC0];
	s0 =	smov.u32 s6;
	v23 =	vcvt.f32.s32 v61;
	v37 =	vsel vm2, $0x1, v0;
	v30 =	vmul.f32 v30, v3;
	[tilespmem:s6+$0x10] =	vst v39  }
.LBB2_8:
0xa0: {  	v38 =	vld [tilespmem:s9+$0x0];
	s7 =	sadd.s32 $0x8, s7;
	v39 =	vshll.u32 v24, $0x1;
	v40 =	vtrunc.f32 v20;
	v36 =	vor.u32 v37, v36;
	s17 =	sadd.s32 $0x400, s17;
	[tilespmem:s0+$0xFFFFFFE0] =	vst v27  }
0xa1: {  	v28 =	vor.u32 v34, v28;
	vm2 =	vgt.f32 v5, v32;
	v26 =	vmul.f32 v26, v3;
	v27 =	vld [tilespmem:s9+$0xFFFFFFD0];
	p1 =	slt.u32 s7, $0x28;
	[tilespmem:s0+$0x20] =	vst v30  }
0xa2: {  	v34 =	vshll.u32 v9, $0x1;
	v5 =	vmovc v16;
	v32 =	vcvt.f32.s32 v40;
	vm3 =	vgt.f32 v6, v29;
	v6 =	vmovc v22;
	v30 =	vld [tilespmem:s9+$0x10]  }
0xa3: {  	vm4 =	vgt.f32 v17, v25;
	v17 =	vsel vm1, $0x1, v0;
	v9 =	vmovc v23;
	v22 =	vmul.f32 v31, v3;
	v16 =	vld [tilespmem:s9+$0x30];
	[tilespmem:s0+$0xFFFFFFF0] =	vst v26  }
0xa4: {  	v25 =	vsel vm4, $0x1, v0;
	vm1 =	vgt.f32 v8, v33;
	v26 =	vshll.u32 v11, $0x1;
	v11 =	vmovc v32;
	v8 =	vmovc v20;
	v23 =	vld [tilespmem:s9+$0xFFFFFFE0]  }
0xa5: {  	v21 =	vor.u32 v25, v21;
	v29 =	vmul.f32 v35, v4;
	v25 =	vsel vm1, $0x1, v0;
	v20 =	vld [tilespmem:s9+$0xFFFFFFF0];
	[tilespmem:s0+$0x0] =	vst v22;
	s0 =	smov.u32 s2;
	s2 =	smov.u32 s17  }
0xa6: {  	v31 =	vtrunc.f32 v5;
	v32 =	vor.u32 v17, v7;
	v33 =	vsel vm0, $0x1, v0;
	v7 =	vmovc v39;
	v22 =	vld.idx.msk [tilespmem:v18+s16+$0x0], $0xffff  }
0xa7: {  	v33 =	vor.u32 v33, v34;
	v17 =	vadd.f32 v29, v1;
	v29 =	vtrunc.f32 v10;
	v35 =	vld [tilespmem:s9+$0x20]  }
0xa8: {  	v25 =	vor.u32 v25, v26;
	v37 =	vcvt.f32.s32 v29;
	v16 =	vmul.f32 v16, v4;
	v26 =	vld.idx.msk [tilespmem:v36+s14+$0x0], $0xffff  }
0xa9: {  	v34 =	vsel vm2, $0x1, v0;
	v29 =	vtrunc.f32 v17;
	v36 =	vsel vm3, $0x1, v0;
	v28 =	vld.idx.msk [tilespmem:v28+s14+$0x0], $0xffff  }
0xaa: {  	v40 =	vor.u32 v34, v14;
	v39 =	vadd.f32 v16, v1;
	v24 =	vld.idx.msk [tilespmem:v24+s16+$0x0], $0xffff;
	v16 =	vtrunc.f32 v6  }
0xab: {  	v30 =	vmul.f32 v30, v4;
	v29 =	vcvt.f32.s32 v29;
	v36 =	vor.u32 v36, v15;
	v34 =	vld.idx.msk [tilespmem:v21+s14+$0x0], $0xffff  }
0xac: {  	vm2 =	vgt.f32 v19, v22;
	v22 =	vcvt.f32.s32 v31;
	v35 =	vmul.f32 v35, v4;
	v41 =	vld.idx.msk [tilespmem:v32+s14+$0x0], $0xffff  }
0xad: {  	v15 =	vmul.f32 v38, v4;
	v21 =	vshll.u32 v29, $0x1;
	v38 =	vcvt.f32.s32 v16;
	v31 =	vld.idx.msk [tilespmem:v9+s16+$0x0], $0xffff  }
0xae: {  	v19 =	vmul.f32 v20, v4;
	v14 =	vshll.u32 v22, $0x1;
	v20 =	vmul.f32 v26, v3;
	v42 =	vld.idx.msk [tilespmem:v25+s14+$0x0], $0xffff  }
0xaf: {  	v23 =	vmul.f32 v23, v4;
	v16 =	vadd.f32 v15, v1;
	v26 =	vmul.f32 v28, v3;
	v43 =	vld.idx.msk [tilespmem:v37+s16+$0x0], $0xffff  }
0xb0: {  	v27 =	vmul.f32 v27, v4;
	v44 =	vadd.f32 v19, v1;
	v15 =	vshll.u32 v38, $0x1;
	v45 =	vld.idx.msk [tilespmem:v36+s14+$0x0], $0xffff;
	[tilespmem:s0+$0x30] =	vst v20  }
0xb1: {  	v28 =	vshll.u32 v18, $0x1;
	vm1 =	vgt.f32 v13, v24;
	v13 =	vadd.f32 v23, v1;
	v25 =	vld.idx.msk [tilespmem:v29+s16+$0x0], $0xffff;
	[tilespmem:s0+$0xFFFFFFD0] =	vst v26  }
0xb2: {  	v19 =	vadd.f32 v27, v1;
	v23 =	vtrunc.f32 v44;
	v18 =	vmul.f32 v34, v3;
	v26 =	vld.idx.msk [tilespmem:v33+s14+$0x0], $0xffff  }
.Ltmp2:
0xb3: {  	v20 =	vadd.f32 v30, v1;
	v24 =	vtrunc.f32 v13;
	vm0 =	vgt.f32 v12, v31;
	v12 =	vmovc v44;
	v32 =	vld.idx.msk [tilespmem:v22+s16+$0x0], $0xffff;
	(pc) =	sbr.rel @p1 .LBB2_8-.Ltmp2, $4  }
0xb4: {  	v34 =	vsel vm2, $0x1, v0;
	v22 =	vtrunc.f32 v19;
	v30 =	vmul.f32 v42, v3;
	v29 =	vld.idx.msk [tilespmem:v38+s16+$0x0], $0xffff;
	[tilespmem:s0+$0xFFFFFFC0] =	vst v18  }
0xb5: {  	v36 =	vshll.u32 v37, $0x1;
	v18 =	vcvt.f32.s32 v22;
	v22 =	vadd.f32 v35, v1;
	v31 =	vld.idx.msk [tilespmem:v40+s14+$0x0], $0xffff  }
0xb6: {  	v27 =	vmul.f32 v41, v3;
	v24 =	vcvt.f32.s32 v24;
	vm2 =	vgt.f32 v10, v43;
	v33 =	vld.idx.msk [tilespmem:v11+s16+$0x0], $0xffff;
	[tilespmem:s0+$0x10] =	vst v30  }
0xb7: {  	v23 =	vcvt.f32.s32 v23;
	v10 =	vmovc v39;
	v37 =	vsel vm2, $0x1, v0;
	v30 =	vmul.f32 v45, v3;
	v35 =	vld [tilespmem:s9+$0xFFFFFFC0];
	s9 =	sadd.s32 $0x400, s9  }
0xb8: {  	v36 =	vor.u32 v37, v36  }
0xb9: {  	v28 =	vor.u32 v34, v28;
	vm2 =	vgt.f32 v17, v25;
	v17 =	vshll.u32 v24, $0x1  }
0xba: {  	v38 =	vtrunc.f32 v20;
	v40 =	vtrunc.f32 v10;
	vm6 =	vgt.f32 v5, v32  }
0xbb: {  	v11 =	vshll.u32 v11, $0x1;
	v26 =	vmul.f32 v26, v3;
	v9 =	vshll.u32 v9, $0x1  }
0xbc: {  	v48 =	vsel vm1, $0x1, v0;
	v50 =	vtrunc.f32 v22;
	v51 =	vtrunc.f32 v16  }
0xbd: {  	v41 =	vld.idx.msk [tilespmem:v18+s16+$0x0], $0xffff;
	v53 =	vsel vm0, $0x1, v0;
	v7 =	vor.u32 v48, v7;
	v4 =	vmul.f32 v35, v4  }
0xbe: {  	v47 =	vld.idx.msk [tilespmem:v24+s16+$0x0], $0xffff;
	v62 =	vshll.u32 v18, $0x1;
	v39 =	vsel vm2, $0x1, v0;
	v9 =	vor.u32 v53, v9  }
0xbf: {  	v42 =	vcvt.f32.s32 v40;
	v52 =	vld.idx.msk [tilespmem:v23+s16+$0x0], $0xffff;
	v21 =	vor.u32 v39, v21;
	v4 =	vadd.f32 v4, v1  }
0xc0: {  	v25 =	vcvt.f32.s32 v38;
	vm7 =	vgt.f32 v6, v29;
	v49 =	vmul.f32 v31, v3;
	v44 =	vld.idx.msk [tilespmem:v36+s14+$0x0], $0xffff  }
0xc1: {  	v54 =	vsel vm6, $0x1, v0;
	v31 =	vcvt.f32.s32 v50;
	v28 =	vld.idx.msk [tilespmem:v28+s14+$0x0], $0xffff;
	v45 =	vtrunc.f32 v4  }
0xc2: {  	v34 =	vcvt.f32.s32 v51;
	v56 =	vsel vm7, $0x1, v0;
	v39 =	vld.idx.msk [tilespmem:v7+s14+$0x0], $0xffff;
	v46 =	vcvt.f32.s32 v45  }
0xc3: {  	v14 =	vor.u32 v54, v14;
	vm3 =	vgt.f32 v8, v33;
	v15 =	vor.u32 v56, v15;
	v9 =	vld.idx.msk [tilespmem:v9+s14+$0x0], $0xffff  }
0xc4: {  	v59 =	vshll.u32 v34, $0x1;
	v8 =	vshll.u32 v42, $0x1;
	v43 =	vsel vm3, $0x1, v0;
	v21 =	vld.idx.msk [tilespmem:v21+s14+$0x0], $0xffff  }
0xc5: {  	v61 =	vshll.u32 v31, $0x1;
	v11 =	vor.u32 v43, v11;
	vm8 =	vgt.f32 v19, v41;
	v55 =	vld.idx.msk [tilespmem:v42+s16+$0x0], $0xffff  }
0xc6: {  	vm9 =	vgt.f32 v13, v47;
	vm10 =	vgt.f32 v12, v52;
	v37 =	vsel vm8, $0x1, v0;
	v60 =	vld.idx.msk [tilespmem:v25+s16+$0x0], $0xffff  }
0xc7: {  	v47 =	vshll.u32 v23, $0x1;
	v40 =	vor.u32 v37, v62;
	v48 =	vsel vm10, $0x1, v0;
	v31 =	vld.idx.msk [tilespmem:v31+s16+$0x0], $0xffff  }
0xc8: {  	[tilespmem:s0+$0x0] =	vst v49;
	v42 =	vshll.u32 v25, $0x1;
	v49 =	vor.u32 v48, v47;
	v33 =	vmul.f32 v44, v3;
	v58 =	vld.idx.msk [tilespmem:v46+s16+$0x0], $0xffff  }
0xc9: {  	[tilespmem:s0+$0xFFFFFFE0] =	vst v27;
	v34 =	vld.idx.msk [tilespmem:v34+s16+$0x0], $0xffff;
	v28 =	vmul.f32 v28, v3;
	v44 =	vsel vm9, $0x1, v0;
	v57 =	vshll.u32 v46, $0x1  }
0xca: {  	v14 =	vld.idx.msk [tilespmem:v14+s14+$0x0], $0xffff;
	v45 =	vor.u32 v44, v17;
	v53 =	vmul.f32 v9, v3;
	vm11 =	vgt.f32 v10, v55  }
0xcb: {  	[tilespmem:s0+$0x20] =	vst v30;
	v15 =	vld.idx.msk [tilespmem:v15+s14+$0x0], $0xffff;
	v63 =	vmul.f32 v21, v3;
	vm13 =	vgt.f32 v20, v60;
	v38 =	vsel vm11, $0x1, v0  }
0xcc: {  	[tilespmem:s0+$0xFFFFFFF0] =	vst v26;
	v11 =	vld.idx.msk [tilespmem:v11+s14+$0x0], $0xffff;
	v43 =	vsel vm13, $0x1, v0;
	vm14 =	vgt.f32 v22, v31;
	v8 =	vor.u32 v38, v8  }
0xcd: {  	[tilespmem:s2+$0x30] =	vst v33;
	v7 =	vld.idx.msk [tilespmem:v40+s14+$0x0], $0xffff;
	v13 =	vor.u32 v43, v42;
	v46 =	vsel vm14, $0x1, v0;
	vm12 =	vgt.f32 v4, v58  }
0xce: {  	vm15 =	vgt.f32 v16, v34;
	[tilespmem:s2+$0xFFFFFFD0] =	vst v28;
	v6 =	vld.idx.msk [tilespmem:v49+s14+$0x0], $0xffff;
	v12 =	vor.u32 v46, v61;
	v41 =	vsel vm12, $0x1, v0  }
0xcf: {  	v55 =	vmul.f32 v14, v3;
	v50 =	vsel vm15, $0x1, v0;
	[tilespmem:s2+$0xFFFFFFF0] =	vst v53;
	v5 =	vor.u32 v41, v57  }
0xd0: {  	v51 =	vmul.f32 v15, v3;
	[tilespmem:s2+$0xFFFFFFC0] =	vst v63;
	v52 =	vor.u32 v50, v59;
	v10 =	vld.idx.msk [tilespmem:v45+s14+$0x0], $0xffff  }
0xd1: {  	[tilespmem:s2+$0x0] =	vst v55;
	v11 =	vmul.f32 v11, v3;
	v8 =	vld.idx.msk [tilespmem:v8+s14+$0x0], $0xffff  }
0xd2: {  	[tilespmem:s2+$0x20] =	vst v51;
	v7 =	vmul.f32 v7, v3;
	v54 =	vld.idx.msk [tilespmem:v13+s14+$0x0], $0xffff  }
0xd3: {  	s17 =	sadd.s32 $0x400, s17;
	[tilespmem:s2+$0x10] =	vst v11;
	v63 =	vmul.f32 v6, v3;
	v57 =	vld.idx.msk [tilespmem:v12+s14+$0x0], $0xffff  }
0xd4: {  	[tilespmem:s17+$0xFFFFFFD0] =	vst v7;
	v4 =	vmul.f32 v39, v3;
	v5 =	vld.idx.msk [tilespmem:v5+s14+$0x0], $0xffff  }
0xd5: {  	v59 =	vld.idx.msk [tilespmem:v52+s14+$0x0], $0xffff;
	[tilespmem:s17+$0xFFFFFFF0] =	vst v63;
	v61 =	vmul.f32 v10, v3  }
0xd6: {  	s31 =	sadd.s32 $0x1, s31;
	[tilespmem:s2+$0xFFFFFFE0] =	vst v4;
	v56 =	vmul.f32 v8, v3  }
0xd7: {  	p1 =	sne.s32 s31, $0x8;
	[tilespmem:s17+$0xFFFFFFE0] =	vst v61;
	v60 =	vmul.f32 v54, v3  }
.Ltmp3:
0xd8: {  	[tilespmem:s17+$0x30] =	vst v56;
	v62 =	vmul.f32 v57, v3;
	(pc) =	sbr.rel @p1 .LBB2_7-.Ltmp3, $4  }
0xd9: {  	[tilespmem:s17+$0x10] =	vst v60;
	v58 =	vmul.f32 v5, v3  }
0xda: {  	[tilespmem:s17+$0x20] =	vst v62;
	v3 =	vmul.f32 v59, v3  }
0xdb: {  	[tilespmem:s17+$0xFFFFFFC0] =	vst v58  }
0xdc: {  	s1 =	sadd.s32 $0x80, s1;
	s6 =	sadd.s32 $0x80, s6;
	[tilespmem:s17+$0x0] =	vst v3  }
0xdd: {  	s0 =	sshrl.u32 s30, $0x3  }
0xde: {  	s0 =	smul.u32 $0x300, s0  }
0xdf: {  	s1 =	sadd.s32 s29, s11  }
0xe0: {  	s1 =	smul.u32 $0x300, s1;
	s0 =	sadd.s32 s8, s0  }
0xe1: {  	[hbm4b:s0+s3] =	stream.linear.scatter [tilespmem:s20], [sflag:$0x3], $0x1800, $0x38;
	[tilespmem:$0xC880] =	vst v63  }
0xe2: {  	s31 =	sadd.s32 s5, s1  }
0xe3: {  	[tilespmem:s3], [sflag:$0x1] =	stream.linear.gather [hbm4b:s31+s3], $0x1800, $0x38;
	[tilespmem:$0xC880] =	vst v63  }
0xe4: {  	_ =	swait.ge [sflag:s21], $0x1800  }
0xe5: {  	[sflag:s21] =	ssyncset.done $0x0  }
0xe6: {  	s0 =	simm.s32 @!p0 $0x4;
	[sflag:s21] =	ssyncadd.s32 $0xFFFFE800  }
0xe7: {  	_ =	swait.ge @!p0 [sflag:s0], $0x1800  }
0xe8: {  	[sflag:s0] =	ssyncset.done @!p0 $0x0  }
0xe9: {  	s1 =	simm.s32 $0x1840;
	[sflag:s0] =	ssyncadd.s32 @!p0 $0xFFFFE800;
	s0 =	simm.s32 $0x0  }
.LBB2_11:
0xea: {  	v3 =	vld [tilespmem:s1+$0x0]  }
0xeb: {  	v4 =	vld [tilespmem:s1+$0x10]  }
0xec: {  	v5 =	vld [tilespmem:s1+$0xFFFFFFC0]  }
0xed: {  	v6 =	vld [tilespmem:s1+$0xFFFFFFD0]  }
0xee: {  	v7 =	vld [tilespmem:s1+$0xFFFFFFE0]  }
0xef: {  	v11 =	vld [tilespmem:s1+$0xFFFFFFF0]  }
0xf0: {  	v9 =	vimm.f32 $0.0e+00;
	v10 =	vld [tilespmem:s1+$0x20]  }
0xf1: {  	s2 =	simm.s32 $0x0;
	v8 =	vld [tilespmem:s1+$0x30];
	s6 =	sadd.s32 $0x400, s1;
	v14 =	vimm.f32 $0.0e+00;
	v12 =	vimm.f32 $0.0e+00;
	v13 =	vimm.f32 $0.0e+00  }
.LBB2_12:
0xf2: {  	v15 =	vmul.f32 v3, v3;
	v3 =	vld [tilespmem:s6+$0x0];
	v16 =	vmul.f32 v4, v4  }
0xf3: {  	v17 =	vmul.f32 v5, v5;
	v18 =	vmul.f32 v6, v6;
	s2 =	sadd.s32 $0x8, s2;
	v4 =	vld [tilespmem:s6+$0x10]  }
0xf4: {  	v19 =	vmul.f32 v7, v7;
	p0 =	slt.u32 s2, $0x28;
	v5 =	vld [tilespmem:s6+$0xFFFFFFC0];
	v11 =	vmul.f32 v11, v11  }
.Ltmp4:
0xf5: {  	v9 =	vadd.f32 v17, v9;
	v14 =	vadd.f32 v18, v14;
	v6 =	vld [tilespmem:s6+$0xFFFFFFD0];
	v17 =	vmul.f32 v10, v10;
	(pc) =	sbr.rel @p0 .LBB2_12-.Ltmp4, $4  }
0xf6: {  	v12 =	vadd.f32 v19, v12;
	v7 =	vld [tilespmem:s6+$0xFFFFFFE0];
	v13 =	vadd.f32 v11, v13;
	v8 =	vmul.f32 v8, v8  }
0xf7: {  	v9 =	vadd.f32 v15, v9;
	v14 =	vadd.f32 v16, v14;
	v11 =	vld [tilespmem:s6+$0xFFFFFFF0]  }
0xf8: {  	v12 =	vadd.f32 v17, v12;
	v10 =	vld [tilespmem:s6+$0x20];
	v13 =	vadd.f32 v8, v13  }
0xf9: {  	v8 =	vld [tilespmem:s6+$0x30];
	s6 =	sadd.s32 $0x400, s6  }
0xfa: {  	v3 =	vmul.f32 v3, v3;
	v4 =	vmul.f32 v4, v4  }
0xfb: {  	v5 =	vmul.f32 v5, v5;
	v6 =	vmul.f32 v6, v6  }
0xfc: {  	v7 =	vmul.f32 v7, v7;
	v11 =	vmul.f32 v11, v11  }
0xfd: {  	v5 =	vadd.f32 v5, v9;
	v6 =	vadd.f32 v6, v14;
	v55 =	vmul.f32 v10, v10  }
0xfe: {  	v7 =	vadd.f32 v7, v12;
	v56 =	vadd.f32 v11, v13;
	v8 =	vmul.f32 v8, v8  }
0xff: {  	v3 =	vadd.f32 v3, v5;
	v4 =	vadd.f32 v4, v6  }
0x100: {  	v57 =	vadd.f32 v55, v7;
	v58 =	vadd.f32 v8, v56;
	_ =	sdelay $0x1  }
0x101: {  	v3 =	vadd.f32 v4, v3;
	v59 =	vadd.f32 v58, v57;
	_ =	sdelay $0x1  }
0x102: {  	v3 =	vadd.f32 v59, v3;
	_ =	sdelay $0x1  }
0x103: {  	(xrf2) =	vadd.scan.msk.f32 $0xffff, v3;
	_ =	sdelay $0x9  }
0x104: {  	v3, _, _ =	vpop (xrf2)  }
0x105: {  	(v2sf) =	vpush v3, $0xF;
	_ =	sdelay $0xe  }
0x106: {  	s2 =	spop (v2sf)  }
0x107: {  	s2 =	smul.f32 $1.302083370e-03, s2;
	_ =	sdelay $0x1  }
0x108: {  	v3 =	vmov s2  }
0x109: {  	v3 =	vshra.s32 v3, $0x1  }
0x10a: {  	v3 =	vadd.s32 $0x1FBD1DF6, v3  }
0x10b: {  	(erf) = vrcp.f32 v3;
	_ =	sdelay $0x8  }
0x10c: {  	v60 =	vpop (erf)  }
0x10d: {  	v4 =	vmul.f32 s2, v60;
	_ =	sdelay $0x1  }
0x10e: {  	v3 =	vadd.f32 v3, v4;
	_ =	sdelay $0x1  }
0x10f: {  	v3 =	vmul.f32 $5.000000000e-01, v3;
	_ =	sdelay $0x1  }
0x110: {  	(erf) = vrcp.f32 v3;
	_ =	sdelay $0x8  }
0x111: {  	v61 =	vpop (erf)  }
0x112: {  	v4 =	vmul.f32 s2, v61;
	_ =	sdelay $0x1  }
0x113: {  	v3 =	vadd.f32 v4, v3;
	_ =	sdelay $0x1  }
0x114: {  	v3 =	vmul.f32 $5.000000000e-01, v3;
	_ =	sdelay $0x1  }
0x115: {  	(erf) = vrcp.f32 v3;
	_ =	sdelay $0x8  }
0x116: {  	v62 =	vpop (erf)  }
0x117: {  	v4 =	vmul.f32 s2, v62;
	_ =	sdelay $0x1  }
0x118: {  	v3 =	vadd.f32 v4, v3;
	_ =	sdelay $0x1  }
0x119: {  	v3 =	vmul.f32 $5.000000000e-01, v3;
	_ =	sdelay $0x1  }
0x11a: {  	v3 =	vadd.f32 $9.999999930e-09, v3;
	_ =	sdelay $0x1  }
0x11b: {  	(erf) = vrcp.f32 v3;
	_ =	sdelay $0x5  }
0x11c: {  	s31 =	sshll.u32 s0, $0x7;
	s0 =	sadd.s32 $0x1, s0  }
0x11d: {  	p0 =	sne.s32 s0, $0x8  }
.Ltmp5:
0x11e: {  	_ = 	snop;
	(pc) =	sbr.rel @p0 .LBB2_11-.Ltmp5, $4  }
0x11f: {  	v63 =	vpop (erf)  }
0x120: {  	v4 =	vmul.f32 v63, v2  }
0x121: {  	[tilespmem:s31+$0xC480] =	vst v3  }
0x122: {  	s1 =	sadd.s32 $0x80, s1;
	[tilespmem:s31+$0xC080] =	vst v4  }
0x123: {  	s29 =	simm.s32 $0x0;
	s1 =	simm.s32 $0x1840;
	s0 =	simm.s32 $0x4840  }
.LBB2_15:
0x124: {  	v3 =	vld [tilespmem:s1+$0xFFFFFFD0]  }
0x125: {  	v5 =	vld [tilespmem:s1+$0x30]  }
0x126: {  	v6 =	vld [tilespmem:s1+$0xFFFFFFE0]  }
0x127: {  	v7 =	vld [tilespmem:s1+$0xFFFFFFF0]  }
0x128: {  	s6 =	sshll.u32 s29, $0x7;
	v8 =	vld [tilespmem:s1+$0x10]  }
0x129: {  	v4 =	vld [tilespmem:s6+$0xC080]  }
0x12a: {  	v9 =	vld [tilespmem:s1+$0x20]  }
0x12b: {  	v10 =	vld [tilespmem:s1+$0x0]  }
0x12c: {  	v11 =	vld [tilespmem:s1+$0xFFFFFFC0];
	s2 =	sadd.s32 $0x400, s1  }
0x12d: {  	v19 =	vld [tilespmem:s2+$0xFFFFFFE0]  }
0x12e: {  	v26 =	vld [tilespmem:s2+$0xFFFFFFD0];
	v3 =	vmul.f32 v3, v4  }
0x12f: {  	v6 =	vmul.f32 v6, v4;
	v5 =	vmul.f32 v5, v4  }
0x130: {  	v7 =	vmul.f32 v7, v4;
	v8 =	vmul.f32 v8, v4  }
0x131: {  	v9 =	vmul.f32 v9, v4;
	v10 =	vmul.f32 v10, v4  }
0x132: {  	v11 =	vmul.f32 v11, v4;
	v19 =	vmul.f32 v19, v4;
	v3 =	vadd.f32 v3, v1  }
0x133: {  	v26 =	vmul.f32 v26, v4;
	v6 =	vadd.f32 v6, v1;
	v7 =	vadd.f32 v7, v1  }
0x134: {  	v15 =	vadd.f32 v8, v1;
	v16 =	vadd.f32 v5, v1;
	v12 =	vtrunc.f32 v3  }
0x135: {  	v8 =	vld [tilespmem:s2+$0x30];
	v10 =	vadd.f32 v10, v1;
	v14 =	vtrunc.f32 v6;
	v5 =	vtrunc.f32 v7  }
0x136: {  	v20 =	vadd.f32 v9, v1;
	v9 =	vld [tilespmem:s2+$0xFFFFFFF0];
	v18 =	vtrunc.f32 v15;
	v12 =	vcvt.f32.s32 v12  }
0x137: {  	v24 =	vadd.f32 v11, v1;
	v14 =	vcvt.f32.s32 v14;
	v21 =	vcvt.f32.s32 v5;
	v5 =	vld [tilespmem:s2+$0x20]  }
0x138: {  	v13 =	vld [tilespmem:s2+$0x0];
	v22 =	vtrunc.f32 v10;
	v11 =	vtrunc.f32 v16  }
0x139: {  	v23 =	vtrunc.f32 v24;
	v11 =	vcvt.f32.s32 v11  }
0x13a: {  	v17 =	vld [tilespmem:s2+$0x10];
	v27 =	vtrunc.f32 v20;
	v22 =	vcvt.f32.s32 v22  }
0x13b: {  	v28 =	vcvt.f32.s32 v23;
	v8 =	vmul.f32 v8, v4  }
0x13c: {  	v9 =	vmul.f32 v9, v4;
	v30 =	vmul.f32 v5, v4;
	v25 =	vld.idx.msk [tilespmem:v12+s16+$0x0], $0xffff  }
0x13d: {  	v23 =	vadd.f32 v8, v1;
	v5 =	vmul.f32 v13, v4;
	v13 =	vcvt.f32.s32 v27;
	v8 =	vld.idx.msk [tilespmem:v14+s16+$0x0], $0xffff  }
0x13e: {  	v18 =	vcvt.f32.s32 v18;
	v29 =	vshll.u32 v14, $0x1;
	v32 =	vadd.f32 v9, v1;
	v14 =	vld.idx.msk [tilespmem:v21+s16+$0x0], $0xffff  }
0x13f: {  	v17 =	vmul.f32 v17, v4;
	v19 =	vadd.f32 v19, v1;
	v26 =	vadd.f32 v26, v1;
	v31 =	vld.idx.msk [tilespmem:v11+s16+$0x0], $0xffff  }
0x140: {  	v27 =	vshll.u32 v22, $0x1;
	v12 =	vshll.u32 v12, $0x1;
	v9 =	vtrunc.f32 v32;
	v22 =	vld.idx.msk [tilespmem:v22+s16+$0x0], $0xffff  }
0x141: {  	v11 =	vshll.u32 v11, $0x1;
	v5 =	vadd.f32 v5, v1;
	vm1 =	vgt.f32 v3, v25;
	v3 =	vld [tilespmem:s6+$0xC480]  }
0x142: {  	v33 =	vshll.u32 v13, $0x1;
	v9 =	vcvt.f32.s32 v9;
	v25 =	vshll.u32 v28, $0x1;
	v28 =	vld.idx.msk [tilespmem:v28+s16+$0x0], $0xffff  }
0x143: {  	vm2 =	vgt.f32 v6, v8;
	v6 =	vtrunc.f32 v19;
	v8 =	vadd.f32 v17, v1;
	v13 =	vld.idx.msk [tilespmem:v13+s16+$0x0], $0xffff  }
0x144: {  	vm0 =	vgt.f32 v7, v14;
	v7 =	vtrunc.f32 v26;
	v17 =	vld.idx.msk [tilespmem:v18+s16+$0x0], $0xffff;
	v14 =	vsel vm1, $0x1, v0  }
0x145: {  	v34 =	vcvt.f32.s32 v7;
	v35 =	vcvt.f32.s32 v6;
	vm1 =	vgt.f32 v16, v31;
	v16 =	vld [tilespmem:s2+$0xFFFFFFC0];
	s2 =	sadd.s32 $0x400, s2  }
0x146: {  	v6 =	vadd.f32 v30, v1;
	v30 =	vsel vm1, $0x1, v0;
	v31 =	vld [tilespmem:s2+$0x0];
	v36 =	vtrunc.f32 v8  }
0x147: {  	v37 =	vld [tilespmem:s2+$0xFFFFFFD0];
	v12 =	vor.u32 v14, v12;
	vm1 =	vgt.f32 v10, v22;
	v10 =	vshll.u32 v21, $0x1  }
0x148: {  	v14 =	vld [tilespmem:s2+$0x10];
	v7 =	vshll.u32 v35, $0x1;
	v30 =	vor.u32 v30, v11;
	v11 =	vcvt.f32.s32 v36  }
0x149: {  	v57 =	vld [tilespmem:s2+$0x20];
	v39 =	vtrunc.f32 v6;
	vm3 =	vgt.f32 v20, v13;
	vm4 =	vgt.f32 v24, v28  }
0x14a: {  	v13 =	vld [tilespmem:s2+$0x30];
	v20 =	vsel vm2, $0x1, v0;
	vm2 =	vgt.f32 v15, v17;
	v15 =	vshll.u32 v18, $0x1  }
0x14b: {  	v22 =	vld [tilespmem:s2+$0xFFFFFFE0];
	v28 =	vtrunc.f32 v5;
	v21 =	vsel vm4, $0x1, v0;
	v16 =	vmul.f32 v16, v4  }
0x14c: {  	v18 =	vld [tilespmem:s2+$0xFFFFFFF0];
	v24 =	vsel vm2, $0x1, v0;
	v20 =	vor.u32 v20, v29;
	v29 =	vsel vm0, $0x1, v0  }
0x14d: {  	v59 =	vcvt.f32.s32 v28;
	v28 =	vshll.u32 v34, $0x1;
	v21 =	vor.u32 v21, v25;
	v25 =	vld.idx.msk [tilespmem:v34+s16+$0x0], $0xffff  }
0x14e: {  	v12 =	vld.idx.msk [tilespmem:v12+s14+$0x0], $0xffff;
	v58 =	vmul.f32 v57, v4;
	v17 =	vadd.f32 v16, v1;
	v16 =	vtrunc.f32 v23  }
0x14f: {  	v29 =	vor.u32 v29, v10;
	v35 =	vld.idx.msk [tilespmem:v35+s16+$0x0], $0xffff;
	v38 =	vcvt.f32.s32 v16;
	v10 =	vmul.f32 v13, v4  }
0x150: {  	v13 =	vor.u32 v24, v15;
	v15 =	vld.idx.msk [tilespmem:v30+s14+$0x0], $0xffff;
	v16 =	vtrunc.f32 v17;
	v24 =	vsel vm1, $0x1, v0  }
0x151: {  	v30 =	vsel vm3, $0x1, v0;
	v18 =	vmul.f32 v18, v4;
	v24 =	vor.u32 v24, v27;
	v42 =	vld.idx.msk [tilespmem:v20+s14+$0x0], $0xffff  }
0x152: {  	v27 =	vmul.f32 v14, v4;
	v40 =	vcvt.f32.s32 v16;
	v30 =	vor.u32 v30, v33;
	v20 =	vld.idx.msk [tilespmem:v9+s16+$0x0], $0xffff  }
0x153: {  	v16 =	vmul.f32 v31, v4;
	v33 =	vld.idx.msk [tilespmem:v11+s16+$0x0], $0xffff;
	vm2 =	vgt.f32 v26, v25;
	v26 =	vmul.f32 v37, v4  }
0x154: {  	v31 =	vcvt.f32.s32 v39;
	v14 =	vshll.u32 v59, $0x1;
	v36 =	vshll.u32 v38, $0x1;
	v41 =	vld.idx.msk [tilespmem:v21+s14+$0x0], $0xffff  }
0x155: {  	v10 =	vadd.f32 v10, v1;
	vm1 =	vgt.f32 v19, v35;
	v19 =	vadd.f32 v26, v1;
	v26 =	vld.idx.msk [tilespmem:v29+s14+$0x0], $0xffff  }
0x156: {  	v21 =	vshll.u32 v40, $0x1;
	v16 =	vadd.f32 v16, v1;
	v60 =	vld.idx.msk [tilespmem:v13+s14+$0x0], $0xffff;
	v43 =	vmul.f32 v15, v3  }
0x157: {  	v13 =	vmul.f32 v22, v4;
	v44 =	vld.idx.msk [tilespmem:v38+s16+$0x0], $0xffff;
	v22 =	vmul.f32 v12, v3;
	v12 =	vadd.f32 v18, v1  }
0x158: {  	v30 =	vld.idx.msk [tilespmem:v30+s14+$0x0], $0xffff;
	vm0 =	vgt.f32 v32, v20;
	v20 =	vadd.f32 v27, v1;
	v18 =	vtrunc.f32 v19  }
0x159: {  	v32 =	vld.idx.msk [tilespmem:v59+s16+$0x0], $0xffff;
	v27 =	vmul.f32 v42, v3;
	v13 =	vadd.f32 v13, v1;
	v61 =	vtrunc.f32 v12  }
0x15a: {  	v34 =	vsel vm2, $0x1, v0;
	v25 =	vld.idx.msk [tilespmem:v40+s16+$0x0], $0xffff;
	v62 =	vmul.f32 v41, v3;
	[tilespmem:s0+$0x30] =	vst v43;
	v18 =	vcvt.f32.s32 v18  }
0x15b: {  	v15 =	vshll.u32 v31, $0x1;
	v29 =	vld.idx.msk [tilespmem:v31+s16+$0x0], $0xffff;
	[tilespmem:s0+$0xFFFFFFD0] =	vst v22;
	v63 =	vtrunc.f32 v13;
	v39 =	vmul.f32 v60, v3  }
0x15c: {  	s17 =	sadd.s32 $0x400, s0;
	s7 =	simm.s32 $0x10;
	v22 =	vadd.f32 v58, v1;
	v31 =	vld.idx.msk [tilespmem:v24+s14+$0x0], $0xffff;
	[tilespmem:s0+$0xFFFFFFC0] =	vst v62;
	v24 =	vcvt.f32.s32 v63;
	vm2 =	vgt.f32 v23, v44  }
0x15d: {  	s6 =	smov.u32 s0;
	s9 =	sadd.s32 $0x400, s2;
	v35 =	vld [tilespmem:s2+$0xFFFFFFC0];
	s2 =	smov.u32 s17;
	v23 =	vcvt.f32.s32 v61;
	v37 =	vsel vm2, $0x1, v0;
	v30 =	vmul.f32 v30, v3;
	[tilespmem:s0+$0x10] =	vst v39  }
.LBB2_16:
0x15e: {  	v38 =	vld [tilespmem:s9+$0x0];
	s7 =	sadd.s32 $0x8, s7;
	v39 =	vshll.u32 v24, $0x1;
	v40 =	vtrunc.f32 v20;
	v36 =	vor.u32 v37, v36;
	s17 =	sadd.s32 $0x400, s17;
	[tilespmem:s6+$0xFFFFFFE0] =	vst v27  }
0x15f: {  	v28 =	vor.u32 v34, v28;
	vm2 =	vgt.f32 v5, v32;
	v26 =	vmul.f32 v26, v3;
	v27 =	vld [tilespmem:s9+$0xFFFFFFD0];
	p0 =	slt.u32 s7, $0x28;
	[tilespmem:s6+$0x20] =	vst v30  }
0x160: {  	v34 =	vshll.u32 v9, $0x1;
	v5 =	vmovc v16;
	v32 =	vcvt.f32.s32 v40;
	vm3 =	vgt.f32 v6, v29;
	v6 =	vmovc v22;
	v30 =	vld [tilespmem:s9+$0x10]  }
0x161: {  	vm4 =	vgt.f32 v17, v25;
	v17 =	vsel vm1, $0x1, v0;
	v9 =	vmovc v23;
	v22 =	vmul.f32 v31, v3;
	v16 =	vld [tilespmem:s9+$0x30];
	[tilespmem:s6+$0xFFFFFFF0] =	vst v26  }
0x162: {  	v25 =	vsel vm4, $0x1, v0;
	vm1 =	vgt.f32 v8, v33;
	v26 =	vshll.u32 v11, $0x1;
	v11 =	vmovc v32;
	v8 =	vmovc v20;
	v23 =	vld [tilespmem:s9+$0xFFFFFFE0]  }
0x163: {  	v21 =	vor.u32 v25, v21;
	v29 =	vmul.f32 v35, v4;
	v25 =	vsel vm1, $0x1, v0;
	v20 =	vld [tilespmem:s9+$0xFFFFFFF0];
	[tilespmem:s6+$0x0] =	vst v22;
	s6 =	smov.u32 s2;
	s2 =	smov.u32 s17  }
0x164: {  	v31 =	vtrunc.f32 v5;
	v32 =	vor.u32 v17, v7;
	v33 =	vsel vm0, $0x1, v0;
	v7 =	vmovc v39;
	v22 =	vld.idx.msk [tilespmem:v18+s16+$0x0], $0xffff  }
0x165: {  	v33 =	vor.u32 v33, v34;
	v17 =	vadd.f32 v29, v1;
	v29 =	vtrunc.f32 v10;
	v35 =	vld [tilespmem:s9+$0x20]  }
0x166: {  	v25 =	vor.u32 v25, v26;
	v37 =	vcvt.f32.s32 v29;
	v16 =	vmul.f32 v16, v4;
	v26 =	vld.idx.msk [tilespmem:v36+s14+$0x0], $0xffff  }
0x167: {  	v34 =	vsel vm2, $0x1, v0;
	v29 =	vtrunc.f32 v17;
	v36 =	vsel vm3, $0x1, v0;
	v28 =	vld.idx.msk [tilespmem:v28+s14+$0x0], $0xffff  }
0x168: {  	v40 =	vor.u32 v34, v14;
	v39 =	vadd.f32 v16, v1;
	v24 =	vld.idx.msk [tilespmem:v24+s16+$0x0], $0xffff;
	v16 =	vtrunc.f32 v6  }
0x169: {  	v30 =	vmul.f32 v30, v4;
	v29 =	vcvt.f32.s32 v29;
	v36 =	vor.u32 v36, v15;
	v34 =	vld.idx.msk [tilespmem:v21+s14+$0x0], $0xffff  }
0x16a: {  	vm2 =	vgt.f32 v19, v22;
	v22 =	vcvt.f32.s32 v31;
	v35 =	vmul.f32 v35, v4;
	v41 =	vld.idx.msk [tilespmem:v32+s14+$0x0], $0xffff  }
0x16b: {  	v15 =	vmul.f32 v38, v4;
	v21 =	vshll.u32 v29, $0x1;
	v38 =	vcvt.f32.s32 v16;
	v31 =	vld.idx.msk [tilespmem:v9+s16+$0x0], $0xffff  }
0x16c: {  	v19 =	vmul.f32 v20, v4;
	v14 =	vshll.u32 v22, $0x1;
	v20 =	vmul.f32 v26, v3;
	v42 =	vld.idx.msk [tilespmem:v25+s14+$0x0], $0xffff  }
0x16d: {  	v23 =	vmul.f32 v23, v4;
	v16 =	vadd.f32 v15, v1;
	v26 =	vmul.f32 v28, v3;
	v43 =	vld.idx.msk [tilespmem:v37+s16+$0x0], $0xffff  }
0x16e: {  	v27 =	vmul.f32 v27, v4;
	v44 =	vadd.f32 v19, v1;
	v15 =	vshll.u32 v38, $0x1;
	v45 =	vld.idx.msk [tilespmem:v36+s14+$0x0], $0xffff;
	[tilespmem:s6+$0x30] =	vst v20  }
0x16f: {  	v28 =	vshll.u32 v18, $0x1;
	vm1 =	vgt.f32 v13, v24;
	v13 =	vadd.f32 v23, v1;
	v25 =	vld.idx.msk [tilespmem:v29+s16+$0x0], $0xffff;
	[tilespmem:s6+$0xFFFFFFD0] =	vst v26  }
0x170: {  	v19 =	vadd.f32 v27, v1;
	v23 =	vtrunc.f32 v44;
	v18 =	vmul.f32 v34, v3;
	v26 =	vld.idx.msk [tilespmem:v33+s14+$0x0], $0xffff  }
.Ltmp6:
0x171: {  	v20 =	vadd.f32 v30, v1;
	v24 =	vtrunc.f32 v13;
	vm0 =	vgt.f32 v12, v31;
	v12 =	vmovc v44;
	v32 =	vld.idx.msk [tilespmem:v22+s16+$0x0], $0xffff;
	(pc) =	sbr.rel @p0 .LBB2_16-.Ltmp6, $4  }
0x172: {  	v34 =	vsel vm2, $0x1, v0;
	v22 =	vtrunc.f32 v19;
	v30 =	vmul.f32 v42, v3;
	v29 =	vld.idx.msk [tilespmem:v38+s16+$0x0], $0xffff;
	[tilespmem:s6+$0xFFFFFFC0] =	vst v18  }
0x173: {  	v36 =	vshll.u32 v37, $0x1;
	v18 =	vcvt.f32.s32 v22;
	v22 =	vadd.f32 v35, v1;
	v31 =	vld.idx.msk [tilespmem:v40+s14+$0x0], $0xffff  }
0x174: {  	v27 =	vmul.f32 v41, v3;
	v24 =	vcvt.f32.s32 v24;
	vm2 =	vgt.f32 v10, v43;
	v33 =	vld.idx.msk [tilespmem:v11+s16+$0x0], $0xffff;
	[tilespmem:s6+$0x10] =	vst v30  }
0x175: {  	v23 =	vcvt.f32.s32 v23;
	v10 =	vmovc v39;
	v37 =	vsel vm2, $0x1, v0;
	v30 =	vmul.f32 v45, v3;
	v35 =	vld [tilespmem:s9+$0xFFFFFFC0];
	s9 =	sadd.s32 $0x400, s9  }
0x176: {  	v36 =	vor.u32 v37, v36  }
0x177: {  	v28 =	vor.u32 v34, v28;
	vm2 =	vgt.f32 v17, v25;
	v17 =	vshll.u32 v24, $0x1  }
0x178: {  	v38 =	vtrunc.f32 v20;
	v40 =	vtrunc.f32 v10;
	vm6 =	vgt.f32 v5, v32  }
0x179: {  	v11 =	vshll.u32 v11, $0x1;
	v26 =	vmul.f32 v26, v3;
	v9 =	vshll.u32 v9, $0x1  }
0x17a: {  	v48 =	vsel vm1, $0x1, v0;
	v50 =	vtrunc.f32 v22;
	v51 =	vtrunc.f32 v16  }
0x17b: {  	v41 =	vld.idx.msk [tilespmem:v18+s16+$0x0], $0xffff;
	v53 =	vsel vm0, $0x1, v0;
	v7 =	vor.u32 v48, v7;
	v4 =	vmul.f32 v35, v4  }
0x17c: {  	v47 =	vld.idx.msk [tilespmem:v24+s16+$0x0], $0xffff;
	v62 =	vshll.u32 v18, $0x1;
	v39 =	vsel vm2, $0x1, v0;
	v9 =	vor.u32 v53, v9  }
0x17d: {  	v42 =	vcvt.f32.s32 v40;
	v52 =	vld.idx.msk [tilespmem:v23+s16+$0x0], $0xffff;
	v21 =	vor.u32 v39, v21;
	v4 =	vadd.f32 v4, v1  }
0x17e: {  	v25 =	vcvt.f32.s32 v38;
	vm7 =	vgt.f32 v6, v29;
	v49 =	vmul.f32 v31, v3;
	v44 =	vld.idx.msk [tilespmem:v36+s14+$0x0], $0xffff  }
0x17f: {  	v54 =	vsel vm6, $0x1, v0;
	v31 =	vcvt.f32.s32 v50;
	v28 =	vld.idx.msk [tilespmem:v28+s14+$0x0], $0xffff;
	v45 =	vtrunc.f32 v4  }
0x180: {  	v34 =	vcvt.f32.s32 v51;
	v56 =	vsel vm7, $0x1, v0;
	v39 =	vld.idx.msk [tilespmem:v7+s14+$0x0], $0xffff;
	v46 =	vcvt.f32.s32 v45  }
0x181: {  	v14 =	vor.u32 v54, v14;
	vm3 =	vgt.f32 v8, v33;
	v15 =	vor.u32 v56, v15;
	v9 =	vld.idx.msk [tilespmem:v9+s14+$0x0], $0xffff  }
0x182: {  	v59 =	vshll.u32 v34, $0x1;
	v8 =	vshll.u32 v42, $0x1;
	v43 =	vsel vm3, $0x1, v0;
	v21 =	vld.idx.msk [tilespmem:v21+s14+$0x0], $0xffff  }
0x183: {  	v61 =	vshll.u32 v31, $0x1;
	v11 =	vor.u32 v43, v11;
	vm8 =	vgt.f32 v19, v41;
	v55 =	vld.idx.msk [tilespmem:v42+s16+$0x0], $0xffff  }
0x184: {  	vm9 =	vgt.f32 v13, v47;
	vm10 =	vgt.f32 v12, v52;
	v37 =	vsel vm8, $0x1, v0;
	v60 =	vld.idx.msk [tilespmem:v25+s16+$0x0], $0xffff  }
0x185: {  	v47 =	vshll.u32 v23, $0x1;
	v40 =	vor.u32 v37, v62;
	v48 =	vsel vm10, $0x1, v0;
	v31 =	vld.idx.msk [tilespmem:v31+s16+$0x0], $0xffff  }
0x186: {  	[tilespmem:s6+$0x0] =	vst v49;
	v42 =	vshll.u32 v25, $0x1;
	v49 =	vor.u32 v48, v47;
	v33 =	vmul.f32 v44, v3;
	v58 =	vld.idx.msk [tilespmem:v46+s16+$0x0], $0xffff  }
0x187: {  	[tilespmem:s6+$0xFFFFFFE0] =	vst v27;
	v34 =	vld.idx.msk [tilespmem:v34+s16+$0x0], $0xffff;
	v28 =	vmul.f32 v28, v3;
	v44 =	vsel vm9, $0x1, v0;
	v57 =	vshll.u32 v46, $0x1  }
0x188: {  	v14 =	vld.idx.msk [tilespmem:v14+s14+$0x0], $0xffff;
	v45 =	vor.u32 v44, v17;
	v53 =	vmul.f32 v9, v3;
	vm11 =	vgt.f32 v10, v55  }
0x189: {  	[tilespmem:s6+$0x20] =	vst v30;
	v15 =	vld.idx.msk [tilespmem:v15+s14+$0x0], $0xffff;
	v63 =	vmul.f32 v21, v3;
	vm13 =	vgt.f32 v20, v60;
	v38 =	vsel vm11, $0x1, v0  }
0x18a: {  	[tilespmem:s6+$0xFFFFFFF0] =	vst v26;
	v11 =	vld.idx.msk [tilespmem:v11+s14+$0x0], $0xffff;
	v43 =	vsel vm13, $0x1, v0;
	vm14 =	vgt.f32 v22, v31;
	v8 =	vor.u32 v38, v8  }
0x18b: {  	[tilespmem:s2+$0x30] =	vst v33;
	v7 =	vld.idx.msk [tilespmem:v40+s14+$0x0], $0xffff;
	v13 =	vor.u32 v43, v42;
	v46 =	vsel vm14, $0x1, v0;
	vm12 =	vgt.f32 v4, v58  }
0x18c: {  	vm15 =	vgt.f32 v16, v34;
	[tilespmem:s2+$0xFFFFFFD0] =	vst v28;
	v6 =	vld.idx.msk [tilespmem:v49+s14+$0x0], $0xffff;
	v12 =	vor.u32 v46, v61;
	v41 =	vsel vm12, $0x1, v0  }
0x18d: {  	v55 =	vmul.f32 v14, v3;
	v50 =	vsel vm15, $0x1, v0;
	[tilespmem:s2+$0xFFFFFFF0] =	vst v53;
	v5 =	vor.u32 v41, v57  }
0x18e: {  	v51 =	vmul.f32 v15, v3;
	[tilespmem:s2+$0xFFFFFFC0] =	vst v63;
	v52 =	vor.u32 v50, v59;
	v10 =	vld.idx.msk [tilespmem:v45+s14+$0x0], $0xffff  }
0x18f: {  	[tilespmem:s2+$0x0] =	vst v55;
	v11 =	vmul.f32 v11, v3;
	v8 =	vld.idx.msk [tilespmem:v8+s14+$0x0], $0xffff  }
0x190: {  	[tilespmem:s2+$0x20] =	vst v51;
	v7 =	vmul.f32 v7, v3;
	v54 =	vld.idx.msk [tilespmem:v13+s14+$0x0], $0xffff  }
0x191: {  	s31 =	sadd.s32 $0x400, s17;
	[tilespmem:s2+$0x10] =	vst v11;
	v63 =	vmul.f32 v6, v3;
	v57 =	vld.idx.msk [tilespmem:v12+s14+$0x0], $0xffff  }
0x192: {  	[tilespmem:s31+$0xFFFFFFD0] =	vst v7;
	v4 =	vmul.f32 v39, v3;
	v5 =	vld.idx.msk [tilespmem:v5+s14+$0x0], $0xffff  }
0x193: {  	v59 =	vld.idx.msk [tilespmem:v52+s14+$0x0], $0xffff;
	[tilespmem:s31+$0xFFFFFFF0] =	vst v63;
	v61 =	vmul.f32 v10, v3  }
0x194: {  	s29 =	sadd.s32 $0x1, s29;
	[tilespmem:s2+$0xFFFFFFE0] =	vst v4;
	v56 =	vmul.f32 v8, v3  }
0x195: {  	p0 =	sne.s32 s29, $0x8;
	[tilespmem:s31+$0xFFFFFFE0] =	vst v61;
	v60 =	vmul.f32 v54, v3  }
.Ltmp7:
0x196: {  	[tilespmem:s31+$0x30] =	vst v56;
	v62 =	vmul.f32 v57, v3;
	(pc) =	sbr.rel @p0 .LBB2_15-.Ltmp7, $4  }
0x197: {  	[tilespmem:s31+$0x10] =	vst v60;
	v58 =	vmul.f32 v5, v3  }
0x198: {  	[tilespmem:s31+$0x20] =	vst v62;
	v3 =	vmul.f32 v59, v3  }
0x199: {  	[tilespmem:s31+$0xFFFFFFC0] =	vst v58  }
0x19a: {  	s1 =	sadd.s32 $0x80, s1;
	s0 =	sadd.s32 $0x80, s0;
	[tilespmem:s31+$0x0] =	vst v3  }
0x19b: {  	s26 =	sadd.s32 $0x1, s26  }
0x19c: {  	p0 =	sne.s32 s26, $0x4  }
.Ltmp8:
0x19d: {  	_ = 	snop;
	(pc) =	sbr.rel @p0 .LBB2_2-.Ltmp8, $3  }
0x19e: {  	_ =	sdelay $0x1  }
0x19f: {  	s0 =	sadd.s32 s8, s28  }
0x1a0: {  	[hbm4b:s0+s3] =	stream.linear.scatter [tilespmem:s22], [sflag:$0x4], $0x1800, $0x38;
	[tilespmem:$0xC880] =	vst v63  }
0x1a1: {  	_ =	swait.ge [sflag:s19], $0x1800  }
0x1a2: {  	[sflag:s19] =	ssyncset.done $0x0  }
0x1a3: {  	[sflag:s19] =	ssyncadd.s32 $0xFFFFE800  }
0x1a4: {  	_ =	swait.ge [sflag:s23], $0x1800  }
0x1a5: {  	[sflag:s23] =	ssyncset.done $0x0  }
0x1a6: {  	s0 =	simm.s32 $0x0;
	s1 =	simm.s32 $0x40;
	[sflag:s23] =	ssyncadd.s32 $0xFFFFE800  }
.LBB2_20:
0x1a7: {  	v3 =	vld [tilespmem:s1+$0x0]  }
0x1a8: {  	v4 =	vld [tilespmem:s1+$0x10]  }
0x1a9: {  	v5 =	vld [tilespmem:s1+$0xFFFFFFC0]  }
0x1aa: {  	v6 =	vld [tilespmem:s1+$0xFFFFFFD0]  }
0x1ab: {  	v7 =	vld [tilespmem:s1+$0xFFFFFFE0]  }
0x1ac: {  	v11 =	vld [tilespmem:s1+$0xFFFFFFF0]  }
0x1ad: {  	v9 =	vimm.f32 $0.0e+00;
	v10 =	vld [tilespmem:s1+$0x20]  }
0x1ae: {  	s2 =	simm.s32 $0x0;
	v8 =	vld [tilespmem:s1+$0x30];
	s6 =	sadd.s32 $0x400, s1;
	v14 =	vimm.f32 $0.0e+00;
	v12 =	vimm.f32 $0.0e+00;
	v13 =	vimm.f32 $0.0e+00  }
.LBB2_21:
0x1af: {  	v15 =	vmul.f32 v3, v3;
	v3 =	vld [tilespmem:s6+$0x0];
	v16 =	vmul.f32 v4, v4  }
0x1b0: {  	v17 =	vmul.f32 v5, v5;
	v18 =	vmul.f32 v6, v6;
	s2 =	sadd.s32 $0x8, s2;
	v4 =	vld [tilespmem:s6+$0x10]  }
0x1b1: {  	v19 =	vmul.f32 v7, v7;
	p0 =	slt.u32 s2, $0x28;
	v5 =	vld [tilespmem:s6+$0xFFFFFFC0];
	v11 =	vmul.f32 v11, v11  }
.Ltmp9:
0x1b2: {  	v9 =	vadd.f32 v17, v9;
	v14 =	vadd.f32 v18, v14;
	v6 =	vld [tilespmem:s6+$0xFFFFFFD0];
	v17 =	vmul.f32 v10, v10;
	(pc) =	sbr.rel @p0 .LBB2_21-.Ltmp9, $4  }
0x1b3: {  	v12 =	vadd.f32 v19, v12;
	v7 =	vld [tilespmem:s6+$0xFFFFFFE0];
	v13 =	vadd.f32 v11, v13;
	v8 =	vmul.f32 v8, v8  }
0x1b4: {  	v9 =	vadd.f32 v15, v9;
	v14 =	vadd.f32 v16, v14;
	v11 =	vld [tilespmem:s6+$0xFFFFFFF0]  }
0x1b5: {  	v12 =	vadd.f32 v17, v12;
	v10 =	vld [tilespmem:s6+$0x20];
	v13 =	vadd.f32 v8, v13  }
0x1b6: {  	v8 =	vld [tilespmem:s6+$0x30];
	s6 =	sadd.s32 $0x400, s6  }
0x1b7: {  	v3 =	vmul.f32 v3, v3;
	v4 =	vmul.f32 v4, v4  }
0x1b8: {  	v5 =	vmul.f32 v5, v5;
	v6 =	vmul.f32 v6, v6  }
0x1b9: {  	v7 =	vmul.f32 v7, v7;
	v11 =	vmul.f32 v11, v11  }
0x1ba: {  	v5 =	vadd.f32 v5, v9;
	v6 =	vadd.f32 v6, v14;
	v55 =	vmul.f32 v10, v10  }
0x1bb: {  	v7 =	vadd.f32 v7, v12;
	v56 =	vadd.f32 v11, v13;
	v8 =	vmul.f32 v8, v8  }
0x1bc: {  	v3 =	vadd.f32 v3, v5;
	v4 =	vadd.f32 v4, v6  }
0x1bd: {  	v57 =	vadd.f32 v55, v7;
	v58 =	vadd.f32 v8, v56;
	_ =	sdelay $0x1  }
0x1be: {  	v3 =	vadd.f32 v4, v3;
	v59 =	vadd.f32 v58, v57;
	_ =	sdelay $0x1  }
0x1bf: {  	v3 =	vadd.f32 v59, v3;
	_ =	sdelay $0x1  }
0x1c0: {  	(xrf2) =	vadd.scan.msk.f32 $0xffff, v3;
	_ =	sdelay $0x9  }
0x1c1: {  	v3, _, _ =	vpop (xrf2)  }
0x1c2: {  	(v2sf) =	vpush v3, $0xF;
	_ =	sdelay $0xe  }
0x1c3: {  	s2 =	spop (v2sf)  }
0x1c4: {  	s2 =	smul.f32 $1.302083370e-03, s2;
	_ =	sdelay $0x1  }
0x1c5: {  	v3 =	vmov s2  }
0x1c6: {  	v3 =	vshra.s32 v3, $0x1  }
0x1c7: {  	v3 =	vadd.s32 $0x1FBD1DF6, v3  }
0x1c8: {  	(erf) = vrcp.f32 v3;
	_ =	sdelay $0x8  }
0x1c9: {  	v60 =	vpop (erf)  }
0x1ca: {  	v4 =	vmul.f32 s2, v60;
	_ =	sdelay $0x1  }
0x1cb: {  	v3 =	vadd.f32 v3, v4;
	_ =	sdelay $0x1  }
0x1cc: {  	v3 =	vmul.f32 $5.000000000e-01, v3;
	_ =	sdelay $0x1  }
0x1cd: {  	(erf) = vrcp.f32 v3;
	_ =	sdelay $0x8  }
0x1ce: {  	v61 =	vpop (erf)  }
0x1cf: {  	v4 =	vmul.f32 s2, v61;
	_ =	sdelay $0x1  }
0x1d0: {  	v3 =	vadd.f32 v4, v3;
	_ =	sdelay $0x1  }
0x1d1: {  	v3 =	vmul.f32 $5.000000000e-01, v3;
	_ =	sdelay $0x1  }
0x1d2: {  	(erf) = vrcp.f32 v3;
	_ =	sdelay $0x8  }
0x1d3: {  	v62 =	vpop (erf)  }
0x1d4: {  	v4 =	vmul.f32 s2, v62;
	_ =	sdelay $0x1  }
0x1d5: {  	v3 =	vadd.f32 v4, v3;
	_ =	sdelay $0x1  }
0x1d6: {  	v3 =	vmul.f32 $5.000000000e-01, v3;
	_ =	sdelay $0x1  }
0x1d7: {  	v3 =	vadd.f32 $9.999999930e-09, v3;
	_ =	sdelay $0x1  }
0x1d8: {  	(erf) = vrcp.f32 v3;
	_ =	sdelay $0x5  }
0x1d9: {  	s31 =	sshll.u32 s0, $0x7;
	s0 =	sadd.s32 $0x1, s0  }
0x1da: {  	p0 =	sne.s32 s0, $0x8  }
.Ltmp10:
0x1db: {  	_ = 	snop;
	(pc) =	sbr.rel @p0 .LBB2_20-.Ltmp10, $4  }
0x1dc: {  	v63 =	vpop (erf)  }
0x1dd: {  	v4 =	vmul.f32 v63, v2  }
0x1de: {  	[tilespmem:s31+$0xC480] =	vst v3  }
0x1df: {  	s1 =	sadd.s32 $0x80, s1;
	[tilespmem:s31+$0xC080] =	vst v4  }
0x1e0: {  	s26 =	simm.s32 $0x0;
	s1 =	simm.s32 $0x40;
	s0 =	simm.s32 $0x3040  }
.LBB2_24:
0x1e1: {  	v2 =	vld [tilespmem:s1+$0xFFFFFFD0]  }
0x1e2: {  	v4 =	vld [tilespmem:s1+$0x30]  }
0x1e3: {  	v5 =	vld [tilespmem:s1+$0xFFFFFFE0]  }
0x1e4: {  	v6 =	vld [tilespmem:s1+$0xFFFFFFF0]  }
0x1e5: {  	s6 =	sshll.u32 s26, $0x7;
	v7 =	vld [tilespmem:s1+$0x10]  }
0x1e6: {  	v3 =	vld [tilespmem:s6+$0xC080]  }
0x1e7: {  	v8 =	vld [tilespmem:s1+$0x20]  }
0x1e8: {  	v9 =	vld [tilespmem:s1+$0x0]  }
0x1e9: {  	v10 =	vld [tilespmem:s1+$0xFFFFFFC0];
	s2 =	sadd.s32 $0x400, s1  }
0x1ea: {  	v18 =	vld [tilespmem:s2+$0xFFFFFFE0]  }
0x1eb: {  	v25 =	vld [tilespmem:s2+$0xFFFFFFD0];
	v2 =	vmul.f32 v2, v3  }
0x1ec: {  	v5 =	vmul.f32 v5, v3;
	v4 =	vmul.f32 v4, v3  }
0x1ed: {  	v6 =	vmul.f32 v6, v3;
	v7 =	vmul.f32 v7, v3  }
0x1ee: {  	v8 =	vmul.f32 v8, v3;
	v9 =	vmul.f32 v9, v3  }
0x1ef: {  	v10 =	vmul.f32 v10, v3;
	v18 =	vmul.f32 v18, v3;
	v2 =	vadd.f32 v2, v1  }
0x1f0: {  	v25 =	vmul.f32 v25, v3;
	v5 =	vadd.f32 v5, v1;
	v6 =	vadd.f32 v6, v1  }
0x1f1: {  	v14 =	vadd.f32 v7, v1;
	v15 =	vadd.f32 v4, v1;
	v11 =	vtrunc.f32 v2  }
0x1f2: {  	v7 =	vld [tilespmem:s2+$0x30];
	v9 =	vadd.f32 v9, v1;
	v13 =	vtrunc.f32 v5;
	v4 =	vtrunc.f32 v6  }
0x1f3: {  	v19 =	vadd.f32 v8, v1;
	v8 =	vld [tilespmem:s2+$0xFFFFFFF0];
	v17 =	vtrunc.f32 v14;
	v11 =	vcvt.f32.s32 v11  }
0x1f4: {  	v23 =	vadd.f32 v10, v1;
	v13 =	vcvt.f32.s32 v13;
	v20 =	vcvt.f32.s32 v4;
	v4 =	vld [tilespmem:s2+$0x20]  }
0x1f5: {  	v12 =	vld [tilespmem:s2+$0x0];
	v21 =	vtrunc.f32 v9;
	v10 =	vtrunc.f32 v15  }
0x1f6: {  	v22 =	vtrunc.f32 v23;
	v10 =	vcvt.f32.s32 v10  }
0x1f7: {  	v16 =	vld [tilespmem:s2+$0x10];
	v26 =	vtrunc.f32 v19;
	v21 =	vcvt.f32.s32 v21  }
0x1f8: {  	v27 =	vcvt.f32.s32 v22;
	v7 =	vmul.f32 v7, v3  }
0x1f9: {  	v8 =	vmul.f32 v8, v3;
	v29 =	vmul.f32 v4, v3;
	v24 =	vld.idx.msk [tilespmem:v11+s16+$0x0], $0xffff  }
0x1fa: {  	v22 =	vadd.f32 v7, v1;
	v4 =	vmul.f32 v12, v3;
	v12 =	vcvt.f32.s32 v26;
	v7 =	vld.idx.msk [tilespmem:v13+s16+$0x0], $0xffff  }
0x1fb: {  	v17 =	vcvt.f32.s32 v17;
	v28 =	vshll.u32 v13, $0x1;
	v31 =	vadd.f32 v8, v1;
	v13 =	vld.idx.msk [tilespmem:v20+s16+$0x0], $0xffff  }
0x1fc: {  	v16 =	vmul.f32 v16, v3;
	v18 =	vadd.f32 v18, v1;
	v25 =	vadd.f32 v25, v1;
	v30 =	vld.idx.msk [tilespmem:v10+s16+$0x0], $0xffff  }
0x1fd: {  	v26 =	vshll.u32 v21, $0x1;
	v11 =	vshll.u32 v11, $0x1;
	v8 =	vtrunc.f32 v31;
	v21 =	vld.idx.msk [tilespmem:v21+s16+$0x0], $0xffff  }
0x1fe: {  	v10 =	vshll.u32 v10, $0x1;
	v4 =	vadd.f32 v4, v1;
	vm1 =	vgt.f32 v2, v24;
	v2 =	vld [tilespmem:s6+$0xC480]  }
0x1ff: {  	v32 =	vshll.u32 v12, $0x1;
	v8 =	vcvt.f32.s32 v8;
	v24 =	vshll.u32 v27, $0x1;
	v27 =	vld.idx.msk [tilespmem:v27+s16+$0x0], $0xffff  }
0x200: {  	vm2 =	vgt.f32 v5, v7;
	v5 =	vtrunc.f32 v18;
	v7 =	vadd.f32 v16, v1;
	v12 =	vld.idx.msk [tilespmem:v12+s16+$0x0], $0xffff  }
0x201: {  	vm0 =	vgt.f32 v6, v13;
	v6 =	vtrunc.f32 v25;
	v16 =	vld.idx.msk [tilespmem:v17+s16+$0x0], $0xffff;
	v13 =	vsel vm1, $0x1, v0  }
0x202: {  	v33 =	vcvt.f32.s32 v6;
	v34 =	vcvt.f32.s32 v5;
	vm1 =	vgt.f32 v15, v30;
	v15 =	vld [tilespmem:s2+$0xFFFFFFC0];
	s2 =	sadd.s32 $0x400, s2  }
0x203: {  	v5 =	vadd.f32 v29, v1;
	v29 =	vsel vm1, $0x1, v0;
	v30 =	vld [tilespmem:s2+$0x0];
	v35 =	vtrunc.f32 v7  }
0x204: {  	v36 =	vld [tilespmem:s2+$0xFFFFFFD0];
	v11 =	vor.u32 v13, v11;
	vm1 =	vgt.f32 v9, v21;
	v9 =	vshll.u32 v20, $0x1  }
0x205: {  	v13 =	vld [tilespmem:s2+$0x10];
	v6 =	vshll.u32 v34, $0x1;
	v29 =	vor.u32 v29, v10;
	v10 =	vcvt.f32.s32 v35  }
0x206: {  	v57 =	vld [tilespmem:s2+$0x20];
	v38 =	vtrunc.f32 v5;
	vm3 =	vgt.f32 v19, v12;
	vm4 =	vgt.f32 v23, v27  }
0x207: {  	v12 =	vld [tilespmem:s2+$0x30];
	v19 =	vsel vm2, $0x1, v0;
	vm2 =	vgt.f32 v14, v16;
	v14 =	vshll.u32 v17, $0x1  }
0x208: {  	v21 =	vld [tilespmem:s2+$0xFFFFFFE0];
	v27 =	vtrunc.f32 v4;
	v20 =	vsel vm4, $0x1, v0;
	v15 =	vmul.f32 v15, v3  }
0x209: {  	v17 =	vld [tilespmem:s2+$0xFFFFFFF0];
	v23 =	vsel vm2, $0x1, v0;
	v19 =	vor.u32 v19, v28;
	v28 =	vsel vm0, $0x1, v0  }
0x20a: {  	v59 =	vcvt.f32.s32 v27;
	v27 =	vshll.u32 v33, $0x1;
	v20 =	vor.u32 v20, v24;
	v24 =	vld.idx.msk [tilespmem:v33+s16+$0x0], $0xffff  }
0x20b: {  	v11 =	vld.idx.msk [tilespmem:v11+s14+$0x0], $0xffff;
	v58 =	vmul.f32 v57, v3;
	v16 =	vadd.f32 v15, v1;
	v15 =	vtrunc.f32 v22  }
0x20c: {  	v28 =	vor.u32 v28, v9;
	v34 =	vld.idx.msk [tilespmem:v34+s16+$0x0], $0xffff;
	v37 =	vcvt.f32.s32 v15;
	v9 =	vmul.f32 v12, v3  }
0x20d: {  	v12 =	vor.u32 v23, v14;
	v14 =	vld.idx.msk [tilespmem:v29+s14+$0x0], $0xffff;
	v15 =	vtrunc.f32 v16;
	v23 =	vsel vm1, $0x1, v0  }
0x20e: {  	v29 =	vsel vm3, $0x1, v0;
	v17 =	vmul.f32 v17, v3;
	v23 =	vor.u32 v23, v26;
	v41 =	vld.idx.msk [tilespmem:v19+s14+$0x0], $0xffff  }
0x20f: {  	v26 =	vmul.f32 v13, v3;
	v39 =	vcvt.f32.s32 v15;
	v29 =	vor.u32 v29, v32;
	v19 =	vld.idx.msk [tilespmem:v8+s16+$0x0], $0xffff  }
0x210: {  	v15 =	vmul.f32 v30, v3;
	v32 =	vld.idx.msk [tilespmem:v10+s16+$0x0], $0xffff;
	vm2 =	vgt.f32 v25, v24;
	v25 =	vmul.f32 v36, v3  }
0x211: {  	v30 =	vcvt.f32.s32 v38;
	v13 =	vshll.u32 v59, $0x1;
	v35 =	vshll.u32 v37, $0x1;
	v40 =	vld.idx.msk [tilespmem:v20+s14+$0x0], $0xffff  }
0x212: {  	v9 =	vadd.f32 v9, v1;
	vm1 =	vgt.f32 v18, v34;
	v18 =	vadd.f32 v25, v1;
	v25 =	vld.idx.msk [tilespmem:v28+s14+$0x0], $0xffff  }
0x213: {  	v20 =	vshll.u32 v39, $0x1;
	v15 =	vadd.f32 v15, v1;
	v60 =	vld.idx.msk [tilespmem:v12+s14+$0x0], $0xffff;
	v42 =	vmul.f32 v14, v2  }
0x214: {  	v12 =	vmul.f32 v21, v3;
	v43 =	vld.idx.msk [tilespmem:v37+s16+$0x0], $0xffff;
	v21 =	vmul.f32 v11, v2;
	v11 =	vadd.f32 v17, v1  }
0x215: {  	v29 =	vld.idx.msk [tilespmem:v29+s14+$0x0], $0xffff;
	vm0 =	vgt.f32 v31, v19;
	v19 =	vadd.f32 v26, v1;
	v17 =	vtrunc.f32 v18  }
0x216: {  	v31 =	vld.idx.msk [tilespmem:v59+s16+$0x0], $0xffff;
	v26 =	vmul.f32 v41, v2;
	v12 =	vadd.f32 v12, v1;
	v61 =	vtrunc.f32 v11  }
0x217: {  	v33 =	vsel vm2, $0x1, v0;
	v24 =	vld.idx.msk [tilespmem:v39+s16+$0x0], $0xffff;
	v62 =	vmul.f32 v40, v2;
	[tilespmem:s0+$0x30] =	vst v42;
	v17 =	vcvt.f32.s32 v17  }
0x218: {  	v14 =	vshll.u32 v30, $0x1;
	v28 =	vld.idx.msk [tilespmem:v30+s16+$0x0], $0xffff;
	[tilespmem:s0+$0xFFFFFFD0] =	vst v21;
	v63 =	vtrunc.f32 v12;
	v38 =	vmul.f32 v60, v2  }
0x219: {  	s17 =	sadd.s32 $0x400, s0;
	s7 =	simm.s32 $0x10;
	v21 =	vadd.f32 v58, v1;
	v30 =	vld.idx.msk [tilespmem:v23+s14+$0x0], $0xffff;
	[tilespmem:s0+$0xFFFFFFC0] =	vst v62;
	v23 =	vcvt.f32.s32 v63;
	vm2 =	vgt.f32 v22, v43  }
0x21a: {  	s6 =	smov.u32 s0;
	s9 =	sadd.s32 $0x400, s2;
	v34 =	vld [tilespmem:s2+$0xFFFFFFC0];
	s2 =	smov.u32 s17;
	v22 =	vcvt.f32.s32 v61;
	v36 =	vsel vm2, $0x1, v0;
	v29 =	vmul.f32 v29, v2;
	[tilespmem:s0+$0x10] =	vst v38  }
.LBB2_25:
0x21b: {  	v37 =	vld [tilespmem:s9+$0x0];
	s7 =	sadd.s32 $0x8, s7;
	v38 =	vshll.u32 v23, $0x1;
	v39 =	vtrunc.f32 v19;
	v35 =	vor.u32 v36, v35;
	s17 =	sadd.s32 $0x400, s17;
	[tilespmem:s6+$0xFFFFFFE0] =	vst v26  }
0x21c: {  	v27 =	vor.u32 v33, v27;
	vm2 =	vgt.f32 v4, v31;
	v25 =	vmul.f32 v25, v2;
	v26 =	vld [tilespmem:s9+$0xFFFFFFD0];
	p0 =	slt.u32 s7, $0x28;
	[tilespmem:s6+$0x20] =	vst v29  }
0x21d: {  	v33 =	vshll.u32 v8, $0x1;
	v4 =	vmovc v15;
	v31 =	vcvt.f32.s32 v39;
	vm3 =	vgt.f32 v5, v28;
	v5 =	vmovc v21;
	v29 =	vld [tilespmem:s9+$0x10]  }
0x21e: {  	vm4 =	vgt.f32 v16, v24;
	v16 =	vsel vm1, $0x1, v0;
	v8 =	vmovc v22;
	v21 =	vmul.f32 v30, v2;
	v15 =	vld [tilespmem:s9+$0x30];
	[tilespmem:s6+$0xFFFFFFF0] =	vst v25  }
0x21f: {  	v24 =	vsel vm4, $0x1, v0;
	vm1 =	vgt.f32 v7, v32;
	v25 =	vshll.u32 v10, $0x1;
	v10 =	vmovc v31;
	v7 =	vmovc v19;
	v22 =	vld [tilespmem:s9+$0xFFFFFFE0]  }
0x220: {  	v20 =	vor.u32 v24, v20;
	v28 =	vmul.f32 v34, v3;
	v24 =	vsel vm1, $0x1, v0;
	v19 =	vld [tilespmem:s9+$0xFFFFFFF0];
	[tilespmem:s6+$0x0] =	vst v21;
	s6 =	smov.u32 s2;
	s2 =	smov.u32 s17  }
0x221: {  	v30 =	vtrunc.f32 v4;
	v31 =	vor.u32 v16, v6;
	v32 =	vsel vm0, $0x1, v0;
	v6 =	vmovc v38;
	v21 =	vld.idx.msk [tilespmem:v17+s16+$0x0], $0xffff  }
0x222: {  	v32 =	vor.u32 v32, v33;
	v16 =	vadd.f32 v28, v1;
	v28 =	vtrunc.f32 v9;
	v34 =	vld [tilespmem:s9+$0x20]  }
0x223: {  	v24 =	vor.u32 v24, v25;
	v36 =	vcvt.f32.s32 v28;
	v15 =	vmul.f32 v15, v3;
	v25 =	vld.idx.msk [tilespmem:v35+s14+$0x0], $0xffff  }
0x224: {  	v33 =	vsel vm2, $0x1, v0;
	v28 =	vtrunc.f32 v16;
	v35 =	vsel vm3, $0x1, v0;
	v27 =	vld.idx.msk [tilespmem:v27+s14+$0x0], $0xffff  }
0x225: {  	v39 =	vor.u32 v33, v13;
	v38 =	vadd.f32 v15, v1;
	v23 =	vld.idx.msk [tilespmem:v23+s16+$0x0], $0xffff;
	v15 =	vtrunc.f32 v5  }
0x226: {  	v29 =	vmul.f32 v29, v3;
	v28 =	vcvt.f32.s32 v28;
	v35 =	vor.u32 v35, v14;
	v33 =	vld.idx.msk [tilespmem:v20+s14+$0x0], $0xffff  }
0x227: {  	vm2 =	vgt.f32 v18, v21;
	v21 =	vcvt.f32.s32 v30;
	v34 =	vmul.f32 v34, v3;
	v40 =	vld.idx.msk [tilespmem:v31+s14+$0x0], $0xffff  }
0x228: {  	v14 =	vmul.f32 v37, v3;
	v20 =	vshll.u32 v28, $0x1;
	v37 =	vcvt.f32.s32 v15;
	v30 =	vld.idx.msk [tilespmem:v8+s16+$0x0], $0xffff  }
0x229: {  	v18 =	vmul.f32 v19, v3;
	v13 =	vshll.u32 v21, $0x1;
	v19 =	vmul.f32 v25, v2;
	v41 =	vld.idx.msk [tilespmem:v24+s14+$0x0], $0xffff  }
0x22a: {  	v22 =	vmul.f32 v22, v3;
	v15 =	vadd.f32 v14, v1;
	v25 =	vmul.f32 v27, v2;
	v42 =	vld.idx.msk [tilespmem:v36+s16+$0x0], $0xffff  }
0x22b: {  	v26 =	vmul.f32 v26, v3;
	v43 =	vadd.f32 v18, v1;
	v14 =	vshll.u32 v37, $0x1;
	v44 =	vld.idx.msk [tilespmem:v35+s14+$0x0], $0xffff;
	[tilespmem:s6+$0x30] =	vst v19  }
0x22c: {  	v27 =	vshll.u32 v17, $0x1;
	vm1 =	vgt.f32 v12, v23;
	v12 =	vadd.f32 v22, v1;
	v24 =	vld.idx.msk [tilespmem:v28+s16+$0x0], $0xffff;
	[tilespmem:s6+$0xFFFFFFD0] =	vst v25  }
0x22d: {  	v18 =	vadd.f32 v26, v1;
	v22 =	vtrunc.f32 v43;
	v17 =	vmul.f32 v33, v2;
	v25 =	vld.idx.msk [tilespmem:v32+s14+$0x0], $0xffff  }
.Ltmp11:
0x22e: {  	v19 =	vadd.f32 v29, v1;
	v23 =	vtrunc.f32 v12;
	vm0 =	vgt.f32 v11, v30;
	v11 =	vmovc v43;
	v31 =	vld.idx.msk [tilespmem:v21+s16+$0x0], $0xffff;
	(pc) =	sbr.rel @p0 .LBB2_25-.Ltmp11, $4  }
0x22f: {  	v33 =	vsel vm2, $0x1, v0;
	v21 =	vtrunc.f32 v18;
	v29 =	vmul.f32 v41, v2;
	v28 =	vld.idx.msk [tilespmem:v37+s16+$0x0], $0xffff;
	[tilespmem:s6+$0xFFFFFFC0] =	vst v17  }
0x230: {  	v35 =	vshll.u32 v36, $0x1;
	v17 =	vcvt.f32.s32 v21;
	v21 =	vadd.f32 v34, v1;
	v30 =	vld.idx.msk [tilespmem:v39+s14+$0x0], $0xffff  }
0x231: {  	v26 =	vmul.f32 v40, v2;
	v23 =	vcvt.f32.s32 v23;
	vm2 =	vgt.f32 v9, v42;
	v32 =	vld.idx.msk [tilespmem:v10+s16+$0x0], $0xffff;
	[tilespmem:s6+$0x10] =	vst v29  }
0x232: {  	v22 =	vcvt.f32.s32 v22;
	v9 =	vmovc v38;
	v36 =	vsel vm2, $0x1, v0;
	v29 =	vmul.f32 v44, v2;
	v34 =	vld [tilespmem:s9+$0xFFFFFFC0];
	s9 =	sadd.s32 $0x400, s9  }
0x233: {  	_ =	sdelay $0x2  }
0x234: {  	v35 =	vor.u32 v36, v35  }
0x235: {  	v27 =	vor.u32 v33, v27;
	vm2 =	vgt.f32 v16, v24;
	v3 =	vmul.f32 v34, v3  }
0x236: {  	v16 =	vshll.u32 v23, $0x1;
	v42 =	vtrunc.f32 v19;
	v44 =	vtrunc.f32 v9  }
0x237: {  	vm6 =	vgt.f32 v4, v31;
	v25 =	vmul.f32 v25, v2;
	v3 =	vadd.f32 v3, v1  }
0x238: {  	v10 =	vshll.u32 v10, $0x1;
	v54 =	vtrunc.f32 v21;
	v46 =	vcvt.f32.s32 v44  }
0x239: {  	v8 =	vshll.u32 v8, $0x1;
	v24 =	vcvt.f32.s32 v42;
	v49 =	vtrunc.f32 v3  }
0x23a: {  	v45 =	vld.idx.msk [tilespmem:v17+s16+$0x0], $0xffff;
	v52 =	vsel vm1, $0x1, v0;
	v55 =	vtrunc.f32 v15;
	v50 =	vcvt.f32.s32 v49  }
0x23b: {  	v51 =	vld.idx.msk [tilespmem:v23+s16+$0x0], $0xffff;
	v57 =	vsel vm0, $0x1, v0;
	v39 =	vshll.u32 v17, $0x1;
	v43 =	vsel vm2, $0x1, v0  }
0x23c: {  	vm7 =	vgt.f32 v5, v28;
	v6 =	vor.u32 v52, v6;
	v56 =	vld.idx.msk [tilespmem:v22+s16+$0x0], $0xffff;
	v58 =	vsel vm6, $0x1, v0  }
0x23d: {  	v20 =	vor.u32 v43, v20;
	v53 =	vmul.f32 v30, v2;
	v30 =	vcvt.f32.s32 v54;
	v48 =	vld.idx.msk [tilespmem:v35+s14+$0x0], $0xffff  }
0x23e: {  	v33 =	vcvt.f32.s32 v55;
	v8 =	vor.u32 v57, v8;
	v52 =	vshll.u32 v22, $0x1;
	v59 =	vld.idx.msk [tilespmem:v46+s16+$0x0], $0xffff  }
0x23f: {  	v60 =	vsel vm7, $0x1, v0;
	v13 =	vor.u32 v58, v13;
	vm3 =	vgt.f32 v7, v32;
	v37 =	vld.idx.msk [tilespmem:v24+s16+$0x0], $0xffff  }
0x240: {  	v14 =	vor.u32 v60, v14;
	v63 =	vshll.u32 v33, $0x1;
	v47 =	vsel vm3, $0x1, v0;
	v62 =	vld.idx.msk [tilespmem:v50+s16+$0x0], $0xffff  }
0x241: {  	v7 =	vshll.u32 v46, $0x1;
	v38 =	vshll.u32 v30, $0x1;
	v10 =	vor.u32 v47, v10;
	v27 =	vld.idx.msk [tilespmem:v27+s14+$0x0], $0xffff  }
0x242: {  	vm8 =	vgt.f32 v18, v45;
	vm9 =	vgt.f32 v12, v51;
	v47 =	vshll.u32 v24, $0x1;
	v20 =	vld.idx.msk [tilespmem:v20+s14+$0x0], $0xffff  }
0x243: {  	vm10 =	vgt.f32 v11, v56;
	v43 =	vsel vm8, $0x1, v0;
	v41 =	vld.idx.msk [tilespmem:v30+s16+$0x0], $0xffff;
	vm11 =	vgt.f32 v9, v59  }
0x244: {  	[tilespmem:s6+$0xFFFFFFE0] =	vst v26;
	v42 =	vld.idx.msk [tilespmem:v33+s16+$0x0], $0xffff;
	v32 =	vmul.f32 v48, v2;
	vm13 =	vgt.f32 v19, v37;
	v44 =	vsel vm11, $0x1, v0  }
0x245: {  	[tilespmem:s6+$0x20] =	vst v29;
	v13 =	vld.idx.msk [tilespmem:v13+s14+$0x0], $0xffff;
	v48 =	vsel vm13, $0x1, v0;
	v7 =	vor.u32 v44, v7;
	vm12 =	vgt.f32 v3, v62  }
0x246: {  	[tilespmem:s6+$0xFFFFFFF0] =	vst v25;
	v61 =	vshll.u32 v50, $0x1;
	v12 =	vor.u32 v48, v47;
	v3 =	vld.idx.msk [tilespmem:v6+s14+$0x0], $0xffff;
	v46 =	vsel vm12, $0x1, v0  }
0x247: {  	[tilespmem:s6+$0x0] =	vst v53;
	v45 =	vor.u32 v43, v39;
	v14 =	vld.idx.msk [tilespmem:v14+s14+$0x0], $0xffff;
	v49 =	vsel vm9, $0x1, v0;
	v4 =	vor.u32 v46, v61  }
0x248: {  	v8 =	vld.idx.msk [tilespmem:v8+s14+$0x0], $0xffff;
	v27 =	vmul.f32 v27, v2;
	v40 =	vmul.f32 v20, v2;
	vm14 =	vgt.f32 v21, v41  }
0x249: {  	v10 =	vld.idx.msk [tilespmem:v10+s14+$0x0], $0xffff;
	[tilespmem:s2+$0x30] =	vst v32;
	vm15 =	vgt.f32 v15, v42;
	v51 =	vsel vm14, $0x1, v0;
	v50 =	vor.u32 v49, v16  }
0x24a: {  	v53 =	vsel vm10, $0x1, v0;
	[tilespmem:s2+$0xFFFFFFD0] =	vst v27;
	v59 =	vmul.f32 v13, v2;
	v11 =	vor.u32 v51, v38;
	v7 =	vld.idx.msk [tilespmem:v7+s14+$0x0], $0xffff  }
0x24b: {  	v54 =	vor.u32 v53, v52;
	v55 =	vsel vm15, $0x1, v0;
	[tilespmem:s2+$0xFFFFFFC0] =	vst v40;
	v58 =	vld.idx.msk [tilespmem:v12+s14+$0x0], $0xffff;
	v3 =	vmul.f32 v3, v2  }
0x24c: {  	v56 =	vmul.f32 v14, v2;
	v57 =	vor.u32 v55, v63;
	[tilespmem:s2+$0x0] =	vst v59;
	v4 =	vld.idx.msk [tilespmem:v4+s14+$0x0], $0xffff  }
0x24d: {  	v6 =	vld.idx.msk [tilespmem:v45+s14+$0x0], $0xffff;
	[tilespmem:s2+$0xFFFFFFE0] =	vst v3;
	v3 =	vmul.f32 v8, v2  }
0x24e: {  	v10 =	vmul.f32 v10, v2;
	[tilespmem:s2+$0x20] =	vst v56;
	v9 =	vld.idx.msk [tilespmem:v50+s14+$0x0], $0xffff  }
0x24f: {  	v60 =	vld.idx.msk [tilespmem:v11+s14+$0x0], $0xffff;
	[tilespmem:s2+$0xFFFFFFF0] =	vst v3;
	v3 =	vmul.f32 v7, v2  }
0x250: {  	s31 =	sadd.s32 $0x400, s17;
	v5 =	vld.idx.msk [tilespmem:v54+s14+$0x0], $0xffff;
	[tilespmem:s2+$0x10] =	vst v10;
	v62 =	vmul.f32 v58, v2  }
0x251: {  	v61 =	vld.idx.msk [tilespmem:v57+s14+$0x0], $0xffff;
	[tilespmem:s31+$0x30] =	vst v3;
	v3 =	vmul.f32 v4, v2  }
0x252: {  	s26 =	sadd.s32 $0x1, s26;
	v6 =	vmul.f32 v6, v2;
	[tilespmem:s31+$0x10] =	vst v62  }
0x253: {  	p0 =	sne.s32 s26, $0x8;
	[tilespmem:s31+$0xFFFFFFC0] =	vst v3;
	v3 =	vmul.f32 v9, v2  }
.Ltmp12:
0x254: {  	v63 =	vmul.f32 v60, v2;
	[tilespmem:s31+$0xFFFFFFD0] =	vst v6;
	(pc) =	sbr.rel @p0 .LBB2_24-.Ltmp12, $4  }
0x255: {  	[tilespmem:s31+$0xFFFFFFE0] =	vst v3;
	v3 =	vmul.f32 v5, v2  }
0x256: {  	[tilespmem:s31+$0x20] =	vst v63;
	v2 =	vmul.f32 v61, v2  }
0x257: {  	[tilespmem:s31+$0xFFFFFFF0] =	vst v3  }
0x258: {  	s1 =	sadd.s32 $0x80, s1;
	s0 =	sadd.s32 $0x80, s0;
	[tilespmem:s31+$0x0] =	vst v2  }
0x259: {  	[hbm4b:s12+s3] =	stream.linear.scatter [tilespmem:s20], [sflag:$0x3], $0x1800, $0x38;
	[tilespmem:$0xC880] =	vst v63  }
0x25a: {  	s25 =	sadd.s32 $0x1, s25  }
0x25b: {  	_ =	swait.ge [sflag:s23], $0x1800;
	p0 =	sne.s32 s25, s13  }
.Ltmp13:
0x25c: {  	[sflag:s23] =	ssyncset.done $0x0;
	(pc) =	sbr.rel @p0 .LBB2_1-.Ltmp13, $4  }
0x25d: {  	[sflag:s23] =	ssyncadd.s32 $0xFFFFE800  }
0x25e: {  	_ =	swait.ge [sflag:s24], $0x1800  }
0x25f: {  	[sflag:s24] =	ssyncset.done $0x0  }
0x260: {  	[sflag:s24] =	ssyncadd.s32 $0xFFFFE800  }
0x261: {  	_ =	sfence.sel $0x180000  }
0x262: {  	[bflag:$0x0] =	sbarrier.arrive $0xFFFF  }
0x263: {  	_ =	strace $0x90000047  }
0x264: {  	s0 =	stileid.u32;
	[bflag:$0x2] =	sbarrier.arrive $0xFFFF  }
0x265: {  	p0 =	sne.s32 s0, $0x0;
	s0 =	rddreg [dreg:$0x1]  }
0x266: {  	s0 =	sadd.s32 @!p0 $0x100000, s0  }
0x267: {  	[sflag:s0] =	ssyncadd.tile.s32 @!p0 $0x1;
	_ =	shalt  }
.Lfunc_end2:
_tile_overlayer_lowered:
.L_overlay_start_2:
0x268: {  	(tag) =	ssettag $0x2  }
0x269: {  	s0 =	rddreg [dreg:$0x0];
	s2 =	stileid.u32  }
0x26a: {  	s1 =	rddreg [dreg:$0x1];
	p0 =	sne.s32 s2, $0x0  }
0x26b: {  	s3 =	rddreg [dreg:$0x2];
	[bflag:$0x3] =	sbarrier.arrive $0xFFFF;
	s2 =	simm.s32 @!p0 $0x1C05  }
0x26c: {  	[timem:s3], [sflag:s2] =	dma.local @!p0 [hbm:s0], s1  }
0x26d: {  	s0 =	simm.s32 @!p0 $0x5  }
0x26e: {  	_ =	swait.ge @!p0 [sflag:s0], s1  }
0x26f: {  	s1 =	ssub.s32 @!p0 $0x0, s1;
	[sflag:s0] =	ssyncset.done @!p0 $0x0  }
0x270: {  	[sflag:s0] =	ssyncadd.s32 @!p0 s1  }
0x271: {  	[bflag:$0x3] =	sbarrier.arrive $0xFFFF  }
0x272: {  	_ =	shalt  }

</sc_bundles>
